<compile_context>
chip_gen: v7x
topology: tpu7x:2x2x1
jax: 0.10.2.dev20260603
libtpu: 0.0.44.dev20260713+nightly
codegen_flags: <defaults>
</compile_context>

<pallas_src>
import functools

import jax
import jax.numpy as jnp
from jax import lax
from jax.experimental import pallas as pl
from jax.experimental.pallas import tpu as pltpu
from jax.experimental.pallas import tpu_sc as plsc

DIM = 64
GRAN = 2740
N_DAY = 366
NC = 2
NS = 16
L = 16
N_E = 1000000
IDXCH = 128


def _sincos(x):
    x2 = x * x
    s = x * (1.0 + x2 * (-1.0 / 6.0 + x2 * (1.0 / 120.0 + x2 * (-1.0 / 5040.0))))
    c = 1.0 + x2 * (-0.5 + x2 * (1.0 / 24.0 + x2 * (-1.0 / 720.0 + x2 * (1.0 / 40320.0))))
    return s, c


def _tero_body(h_hbm, t_hbm, r_hbm, d_hbm, ert_hbm, eit_hbm, rrt_hbm, rit_hbm,
               ertl_hbm, eitl_hbm, rrtl_hbm, ritl_hbm,
               time_hbm, out_hbm,
               h_v, t_v, r_v, d_v,
               her_v, hei_v, ter_v, tei_v, rr_v, ri_v, tt_v, acc_v, tail_v,
               col_s, lsem, gsem):
    cid = lax.axis_index("c")
    sid = lax.axis_index("s")
    bpw = h_v.shape[0]
    base = sid * bpw

    pltpu.sync_copy(h_hbm.at[pl.ds(base, bpw)], h_v)
    pltpu.sync_copy(t_hbm.at[pl.ds(base, bpw)], t_v)
    pltpu.sync_copy(r_hbm.at[pl.ds(base, bpw)], r_v)
    pltpu.sync_copy(d_hbm.at[pl.ds(base, bpw)], d_v)

    def _tt_body(i, _):
        pltpu.sync_copy(time_hbm.at[i], tt_v.at[i])
        return 0
    lax.fori_loop(0, N_DAY, _tt_body, 0)

    def _div_body(i, _):
        x = d_v[pl.ds(i * L, L)].astype(jnp.float32)
        d_v[pl.ds(i * L, L)] = (x / jnp.float32(GRAN)).astype(jnp.int32)
        return 0
    lax.fori_loop(0, bpw // L, _div_body, 0, unroll=4)

    def _zero_body(i, _):
        acc_v[pl.ds(i * L, L)] = jnp.zeros((L,), jnp.float32)
        return 0
    lax.fori_loop(0, bpw // L, _zero_body, 0, unroll=4)

    nfeat = DIM // NC

    SH = (N_E // NS) // 128 * 128
    TAIL_OFF = SH * NS
    TAIL = N_E - TAIL_OFF

    def _load_col(tbl_hbm, tail_hbm, c):
        off = pl.multiple_of(sid * SH, 128)
        cp = pltpu.async_copy(
            tbl_hbm.at[c, pl.ds(off, SH)], col_s.at[pl.ds(off, SH)], lsem)

        @pl.when(sid == NS - 1)
        def _tail():
            pltpu.sync_copy(tail_hbm.at[pl.ds(c * TAIL, TAIL)], tail_v)
            pltpu.sync_copy(tail_v, col_s.at[pl.ds(TAIL_OFF, TAIL)])

        cp.wait()
        plsc.subcore_barrier()

    def _gather(*pairs):
        cps = [
            pltpu.async_copy(
                col_s.at[idx_v.at[pl.ds(k * IDXCH, IDXCH)]],
                dst_v.at[pl.ds(k * IDXCH, IDXCH)],
                gsem,
            )
            for idx_v, dst_v in pairs
            for k in range(bpw // IDXCH)
        ]
        for cp in cps:
            cp.wait()

    def _feat_body(cc, _):
        c = cid * nfeat + cc

        _load_col(ert_hbm, ertl_hbm, c)
        _gather((h_v, her_v), (t_v, ter_v))
        plsc.subcore_barrier()

        _load_col(eit_hbm, eitl_hbm, c)
        _gather((h_v, hei_v), (t_v, tei_v))
        plsc.subcore_barrier()

        _load_col(rrt_hbm, rrtl_hbm, c)
        _gather((r_v, rr_v))
        plsc.subcore_barrier()

        _load_col(rit_hbm, ritl_hbm, c)
        _gather((r_v, ri_v))
        plsc.subcore_barrier()

        cvec = jnp.full((L,), c, jnp.int32)

        def _grp_body(g, _):
            sl = pl.ds(g * L, L)
            tv = plsc.load_gather(tt_v, [d_v[sl], cvec])
            s, co = _sincos(tv)
            her = her_v[sl]
            hei = hei_v[sl]
            ter = ter_v[sl]
            tei = tei_v[sl]
            treal = (her - ter) * co - (hei - tei) * s + rr_v[sl]
            timg = (her + ter) * s + (hei + tei) * co + ri_v[sl]
            acc_v[sl] = acc_v[sl] + jnp.abs(treal) + jnp.abs(timg)
            return 0

        lax.fori_loop(0, bpw // L, _grp_body, 0)
        return 0

    lax.fori_loop(0, nfeat, _feat_body, 0)
    pltpu.sync_copy(acc_v, out_hbm.at[cid, pl.ds(base, bpw)])


@jax.jit
def kernel(X, emb_E_real, emb_E_img, emb_R_real, emb_R_img, emb_Time):
    B = X.shape[0]
    bpw = B // NS

    mesh = plsc.VectorSubcoreMesh(core_axis_name="c", subcore_axis_name="s")
    run = pl.kernel(
        _tero_body,
        out_type=jax.ShapeDtypeStruct((NC, B), jnp.float32),
        mesh=mesh,
        compiler_params=pltpu.CompilerParams(needs_layout_passes=False),
        scratch_types=[
            pltpu.VMEM((bpw,), jnp.int32),
            pltpu.VMEM((bpw,), jnp.int32),
            pltpu.VMEM((bpw,), jnp.int32),
            pltpu.VMEM((bpw,), jnp.int32),
            pltpu.VMEM((bpw,), jnp.float32),
            pltpu.VMEM((bpw,), jnp.float32),
            pltpu.VMEM((bpw,), jnp.float32),
            pltpu.VMEM((bpw,), jnp.float32),
            pltpu.VMEM((bpw,), jnp.float32),
            pltpu.VMEM((bpw,), jnp.float32),
            pltpu.VMEM((N_DAY, DIM), jnp.float32),
            pltpu.VMEM((bpw,), jnp.float32),
            pltpu.VMEM((N_E - (N_E // NS) // 128 * 128 * NS,), jnp.float32),
            pltpu.VMEM_SHARED((N_E,), jnp.float32),
            pltpu.SemaphoreType.DMA,
            pltpu.SemaphoreType.DMA,
        ],
    )
    tail0 = (N_E // NS) // 128 * 128 * NS
    tails = [t[tail0:, :].T.reshape(-1)
             for t in (emb_E_real, emb_E_img, emb_R_real, emb_R_img)]
    partial_scores = run(X[:, 0], X[:, 1], X[:, 2], X[:, 3],
                         emb_E_real.T, emb_E_img.T, emb_R_real.T,
                         emb_R_img.T, *tails, emb_Time)
    return partial_scores[0] + partial_scores[1]

# --- scband reference (transcript-rebuilt; emitter-appended) ---
"""Pipeline reference for scband-te-ro-55568286876048 (READ-ONLY COPY).

The authoritative reference and input builder live on the scoring server;
editing this copy changes nothing except your own understanding.
"""

import jax, jax.numpy as jnp
import numpy as np

N_ENTITY = 1000000
N_RELATION = 500000
N_DAY = 366
DIM = 64
BATCH = 16384
GRAN = 2740

def setup_inputs(seed: int = 0) -> dict:
    key = jax.random.key(seed)
    ks = jax.random.split(key, 6)
    r = 6.0 / np.sqrt(DIM)
    X = jax.random.randint(ks[0], (BATCH, 4), 0, N_ENTITY, dtype=jnp.int32)
    def table(k, n):
        t = jax.random.uniform(k, (n, DIM), dtype=jnp.float32, minval=-r, maxval=r)
        return t.at[0].set(0.0)  # padding_idx=0
    emb_E_real = table(ks[1], N_ENTITY)
    emb_E_img = table(ks[2], N_ENTITY)
    emb_R_real = table(ks[3], N_RELATION * 2)
    emb_R_img = table(ks[4], N_RELATION * 2)
    emb_Time = table(ks[5], N_DAY)
    return {"X": X, "emb_E_real": emb_E_real, "emb_E_img": emb_E_img, "emb_R_real": emb_R_real, "emb_R_img": emb_R_img, "emb_Time": emb_Time}

def reference(X, emb_E_real, emb_E_img, emb_R_real, emb_R_img, emb_Time):
    h_i = X[:, 0]
    t_i = X[:, 1]
    r_i = X[:, 2]
    d_i = X[:, 3] // GRAN
    d_emb = jnp.take(emb_Time, d_i, axis=0)
    d_img = jnp.sin(d_emb)
    d_real = jnp.cos(d_emb)
    hEr = jnp.take(emb_E_real, h_i, axis=0)
    hEi = jnp.take(emb_E_img, h_i, axis=0)
    tEr = jnp.take(emb_E_real, t_i, axis=0)
    tEi = jnp.take(emb_E_img, t_i, axis=0)
    h_real = hEr * d_real - hEi * d_img
    t_real = tEr * d_real - tEi * d_img
    r_real = jnp.take(emb_R_real, r_i, axis=0)
    h_img = hEr * d_img + hEi * d_real
    t_img = tEr * d_img + tEi * d_real
    r_img = jnp.take(emb_R_img, r_i, axis=0)
    out_real = jnp.sum(jnp.abs(h_real + r_real - t_real), axis=1)
    out_img = jnp.sum(jnp.abs(h_img + r_img + t_img), axis=1)
    return out_real + out_img

if __name__ == "__main__":
    import jax
    _d = setup_inputs()
    print(jax.jit(kernel)(*tuple(_d.values())))

</pallas_src>

<mosaic_0001>
#map = affine_map<(d0, d1) -> (0)>
#map1 = affine_map<(d0, d1) -> (0, 0)>
module attributes {stable_mosaic.version = 14 : i64} {
  func.func @_tero_body(%arg0: i32, %arg1: i32, %arg2: memref<16384xi32, #tpu.memory_space<hbm>>, %arg3: memref<16384xi32, #tpu.memory_space<hbm>>, %arg4: memref<16384xi32, #tpu.memory_space<hbm>>, %arg5: memref<16384xi32, #tpu.memory_space<hbm>>, %arg6: memref<64x1000000xf32, #tpu.memory_space<hbm>>, %arg7: memref<64x1000000xf32, #tpu.memory_space<hbm>>, %arg8: memref<64x1000000xf32, #tpu.memory_space<hbm>>, %arg9: memref<64x1000000xf32, #tpu.memory_space<hbm>>, %arg10: memref<36864xf32, #tpu.memory_space<hbm>>, %arg11: memref<36864xf32, #tpu.memory_space<hbm>>, %arg12: memref<36864xf32, #tpu.memory_space<hbm>>, %arg13: memref<36864xf32, #tpu.memory_space<hbm>>, %arg14: memref<366x64xf32, #tpu.memory_space<hbm>>, %arg15: memref<2x16384xf32, #tpu.memory_space<hbm>>, %arg16: memref<1024xi32, #tpu.memory_space<vmem>>, %arg17: memref<1024xi32, #tpu.memory_space<vmem>>, %arg18: memref<1024xi32, #tpu.memory_space<vmem>>, %arg19: memref<1024xi32, #tpu.memory_space<vmem>>, %arg20: memref<1024xf32, #tpu.memory_space<vmem>>, %arg21: memref<1024xf32, #tpu.memory_space<vmem>>, %arg22: memref<1024xf32, #tpu.memory_space<vmem>>, %arg23: memref<1024xf32, #tpu.memory_space<vmem>>, %arg24: memref<1024xf32, #tpu.memory_space<vmem>>, %arg25: memref<1024xf32, #tpu.memory_space<vmem>>, %arg26: memref<366x64xf32, #tpu.memory_space<vmem>>, %arg27: memref<1024xf32, #tpu.memory_space<vmem>>, %arg28: memref<576xf32, #tpu.memory_space<vmem>>, %arg29: memref<1000000xf32, #tpu.memory_space<vmem_shared>>, %arg30: memref<!tpu.dma_semaphore, #tpu.memory_space<semaphore_mem>>, %arg31: memref<!tpu.dma_semaphore, #tpu.memory_space<semaphore_mem>>) attributes {dimension_semantics = [#tpu.dimension_semantics<core_parallel>, #tpu.dimension_semantics<subcore_parallel>], iteration_bounds = array<i64: 2, 16>, scalar_prefetch = 0 : i64, scratch_operands = 16 : i64, tpu.core_type = #tpu.core_type<sc_vector_subcore>, window_params = [{transform_indices = #map}, {transform_indices = #map}, {transform_indices = #map}, {transform_indices = #map}, {transform_indices = #map1}, {transform_indices = #map1}, {transform_indices = #map1}, {transform_indices = #map1}, {transform_indices = #map}, {transform_indices = #map}, {transform_indices = #map}, {transform_indices = #map}, {transform_indices = #map1}, {transform_indices = #map1}]} {
    %mul3A = arith.constant 1024 : i32
    %mul3A_0 = arith.muli %arg1, %mul3A : i32
    "tpu.region"() ({
      %run_scoped3A = tpu.sem_alloc : memref<!tpu.dma_semaphore, #tpu.memory_space<semaphore_mem>>
      %dma_start3A = tpu.memref_slice %arg2[%mul3A_0] : memref<16384xi32, #tpu.memory_space<hbm>> -> memref<1024xi32, #tpu.memory_space<hbm>>
      %dma_start3A_28 = tpu.memref_slice %arg2[%mul3A_0] : memref<16384xi32, #tpu.memory_space<hbm>> -> memref<1024xi32, #tpu.memory_space<hbm>>
      tpu.enqueue_dma source(%dma_start3A_28 : memref<1024xi32, #tpu.memory_space<hbm>>) target(%arg16 : memref<1024xi32, #tpu.memory_space<vmem>>) target_semaphore(%run_scoped3A : memref<!tpu.dma_semaphore, #tpu.memory_space<semaphore_mem>>)
      %dma_wait3A = tpu.memref_slice %arg2[%mul3A_0] : memref<16384xi32, #tpu.memory_space<hbm>> -> memref<1024xi32, #tpu.memory_space<hbm>>
      %dma_wait3A_29 = tpu.memref_slice %arg2[%mul3A_0] : memref<16384xi32, #tpu.memory_space<hbm>> -> memref<1024xi32, #tpu.memory_space<hbm>>
      tpu.wait_dma2 semaphore(%run_scoped3A : memref<!tpu.dma_semaphore, #tpu.memory_space<semaphore_mem>>) src(%dma_wait3A_29 : memref<1024xi32, #tpu.memory_space<hbm>>) dst(%arg16 : memref<1024xi32, #tpu.memory_space<vmem>>)
      tpu.yield
    }) : () -> ()
    "tpu.region"() ({
      %run_scoped3A = tpu.sem_alloc : memref<!tpu.dma_semaphore, #tpu.memory_space<semaphore_mem>>
      %dma_start3A = tpu.memref_slice %arg3[%mul3A_0] : memref<16384xi32, #tpu.memory_space<hbm>> -> memref<1024xi32, #tpu.memory_space<hbm>>
      %dma_start3A_28 = tpu.memref_slice %arg3[%mul3A_0] : memref<16384xi32, #tpu.memory_space<hbm>> -> memref<1024xi32, #tpu.memory_space<hbm>>
      tpu.enqueue_dma source(%dma_start3A_28 : memref<1024xi32, #tpu.memory_space<hbm>>) target(%arg17 : memref<1024xi32, #tpu.memory_space<vmem>>) target_semaphore(%run_scoped3A : memref<!tpu.dma_semaphore, #tpu.memory_space<semaphore_mem>>)
      %dma_wait3A = tpu.memref_slice %arg3[%mul3A_0] : memref<16384xi32, #tpu.memory_space<hbm>> -> memref<1024xi32, #tpu.memory_space<hbm>>
      %dma_wait3A_29 = tpu.memref_slice %arg3[%mul3A_0] : memref<16384xi32, #tpu.memory_space<hbm>> -> memref<1024xi32, #tpu.memory_space<hbm>>
      tpu.wait_dma2 semaphore(%run_scoped3A : memref<!tpu.dma_semaphore, #tpu.memory_space<semaphore_mem>>) src(%dma_wait3A_29 : memref<1024xi32, #tpu.memory_space<hbm>>) dst(%arg17 : memref<1024xi32, #tpu.memory_space<vmem>>)
      tpu.yield
    }) : () -> ()
    "tpu.region"() ({
      %run_scoped3A = tpu.sem_alloc : memref<!tpu.dma_semaphore, #tpu.memory_space<semaphore_mem>>
      %dma_start3A = tpu.memref_slice %arg4[%mul3A_0] : memref<16384xi32, #tpu.memory_space<hbm>> -> memref<1024xi32, #tpu.memory_space<hbm>>
      %dma_start3A_28 = tpu.memref_slice %arg4[%mul3A_0] : memref<16384xi32, #tpu.memory_space<hbm>> -> memref<1024xi32, #tpu.memory_space<hbm>>
      tpu.enqueue_dma source(%dma_start3A_28 : memref<1024xi32, #tpu.memory_space<hbm>>) target(%arg18 : memref<1024xi32, #tpu.memory_space<vmem>>) target_semaphore(%run_scoped3A : memref<!tpu.dma_semaphore, #tpu.memory_space<semaphore_mem>>)
      %dma_wait3A = tpu.memref_slice %arg4[%mul3A_0] : memref<16384xi32, #tpu.memory_space<hbm>> -> memref<1024xi32, #tpu.memory_space<hbm>>
      %dma_wait3A_29 = tpu.memref_slice %arg4[%mul3A_0] : memref<16384xi32, #tpu.memory_space<hbm>> -> memref<1024xi32, #tpu.memory_space<hbm>>
      tpu.wait_dma2 semaphore(%run_scoped3A : memref<!tpu.dma_semaphore, #tpu.memory_space<semaphore_mem>>) src(%dma_wait3A_29 : memref<1024xi32, #tpu.memory_space<hbm>>) dst(%arg18 : memref<1024xi32, #tpu.memory_space<vmem>>)
      tpu.yield
    }) : () -> ()
    "tpu.region"() ({
      %run_scoped3A = tpu.sem_alloc : memref<!tpu.dma_semaphore, #tpu.memory_space<semaphore_mem>>
      %dma_start3A = tpu.memref_slice %arg5[%mul3A_0] : memref<16384xi32, #tpu.memory_space<hbm>> -> memref<1024xi32, #tpu.memory_space<hbm>>
      %dma_start3A_28 = tpu.memref_slice %arg5[%mul3A_0] : memref<16384xi32, #tpu.memory_space<hbm>> -> memref<1024xi32, #tpu.memory_space<hbm>>
      tpu.enqueue_dma source(%dma_start3A_28 : memref<1024xi32, #tpu.memory_space<hbm>>) target(%arg19 : memref<1024xi32, #tpu.memory_space<vmem>>) target_semaphore(%run_scoped3A : memref<!tpu.dma_semaphore, #tpu.memory_space<semaphore_mem>>)
      %dma_wait3A = tpu.memref_slice %arg5[%mul3A_0] : memref<16384xi32, #tpu.memory_space<hbm>> -> memref<1024xi32, #tpu.memory_space<hbm>>
      %dma_wait3A_29 = tpu.memref_slice %arg5[%mul3A_0] : memref<16384xi32, #tpu.memory_space<hbm>> -> memref<1024xi32, #tpu.memory_space<hbm>>
      tpu.wait_dma2 semaphore(%run_scoped3A : memref<!tpu.dma_semaphore, #tpu.memory_space<semaphore_mem>>) src(%dma_wait3A_29 : memref<1024xi32, #tpu.memory_space<hbm>>) dst(%arg19 : memref<1024xi32, #tpu.memory_space<vmem>>)
      tpu.yield
    }) : () -> ()
    %scan3A = arith.constant 0 : i32
    %scan3A_1 = arith.constant 0 : i32
    %scan3A_2 = arith.constant 366 : i32
    %scan3A_3 = arith.addi %scan3A_1, %scan3A_2 : i32
    %scan3A_4 = arith.constant 1 : i32
    %scan3A_5 = scf.for %scan3A_28 = %scan3A_1 to %scan3A_3 step %scan3A_4 iter_args(%scan3A_29 = %scan3A) -> (i32)  : i32 {
      "tpu.region"() ({
        %run_scoped3A = tpu.sem_alloc : memref<!tpu.dma_semaphore, #tpu.memory_space<semaphore_mem>>
        %dma_start3A = arith.constant 0 : i32
        %dma_start3A_31 = tpu.memref_slice %arg26[%scan3A_28, %dma_start3A] : memref<366x64xf32, #tpu.memory_space<vmem>> -> memref<1x64xf32, #tpu.memory_space<vmem>>
        %dma_start3A_32 = tpu.memref_squeeze %dma_start3A_31 : memref<1x64xf32, #tpu.memory_space<vmem>> -> memref<64xf32, #tpu.memory_space<vmem>>
        %dma_start3A_33 = arith.constant 0 : i32
        %dma_start3A_34 = tpu.memref_slice %arg14[%scan3A_28, %dma_start3A_33] : memref<366x64xf32, #tpu.memory_space<hbm>> -> memref<1x64xf32, #tpu.memory_space<hbm>>
        %dma_start3A_35 = tpu.memref_squeeze %dma_start3A_34 : memref<1x64xf32, #tpu.memory_space<hbm>> -> memref<64xf32, #tpu.memory_space<hbm>>
        %dma_start3A_36 = arith.constant 0 : i32
        %dma_start3A_37 = tpu.memref_slice %arg26[%scan3A_28, %dma_start3A_36] : memref<366x64xf32, #tpu.memory_space<vmem>> -> memref<1x64xf32, #tpu.memory_space<vmem>>
        %dma_start3A_38 = tpu.memref_squeeze %dma_start3A_37 : memref<1x64xf32, #tpu.memory_space<vmem>> -> memref<64xf32, #tpu.memory_space<vmem>>
        %dma_start3A_39 = arith.constant 0 : i32
        %dma_start3A_40 = tpu.memref_slice %arg14[%scan3A_28, %dma_start3A_39] : memref<366x64xf32, #tpu.memory_space<hbm>> -> memref<1x64xf32, #tpu.memory_space<hbm>>
        %dma_start3A_41 = tpu.memref_squeeze %dma_start3A_40 : memref<1x64xf32, #tpu.memory_space<hbm>> -> memref<64xf32, #tpu.memory_space<hbm>>
        tpu.enqueue_dma source(%dma_start3A_41 : memref<64xf32, #tpu.memory_space<hbm>>) target(%dma_start3A_38 : memref<64xf32, #tpu.memory_space<vmem>>) target_semaphore(%run_scoped3A : memref<!tpu.dma_semaphore, #tpu.memory_space<semaphore_mem>>)
        %dma_wait3A = arith.constant 0 : i32
        %dma_wait3A_42 = tpu.memref_slice %arg26[%scan3A_28, %dma_wait3A] : memref<366x64xf32, #tpu.memory_space<vmem>> -> memref<1x64xf32, #tpu.memory_space<vmem>>
        %dma_wait3A_43 = tpu.memref_squeeze %dma_wait3A_42 : memref<1x64xf32, #tpu.memory_space<vmem>> -> memref<64xf32, #tpu.memory_space<vmem>>
        %dma_wait3A_44 = arith.constant 0 : i32
        %dma_wait3A_45 = tpu.memref_slice %arg14[%scan3A_28, %dma_wait3A_44] : memref<366x64xf32, #tpu.memory_space<hbm>> -> memref<1x64xf32, #tpu.memory_space<hbm>>
        %dma_wait3A_46 = tpu.memref_squeeze %dma_wait3A_45 : memref<1x64xf32, #tpu.memory_space<hbm>> -> memref<64xf32, #tpu.memory_space<hbm>>
        %dma_wait3A_47 = arith.constant 0 : i32
        %dma_wait3A_48 = tpu.memref_slice %arg26[%scan3A_28, %dma_wait3A_47] : memref<366x64xf32, #tpu.memory_space<vmem>> -> memref<1x64xf32, #tpu.memory_space<vmem>>
        %dma_wait3A_49 = tpu.memref_squeeze %dma_wait3A_48 : memref<1x64xf32, #tpu.memory_space<vmem>> -> memref<64xf32, #tpu.memory_space<vmem>>
        %dma_wait3A_50 = arith.constant 0 : i32
        %dma_wait3A_51 = tpu.memref_slice %arg14[%scan3A_28, %dma_wait3A_50] : memref<366x64xf32, #tpu.memory_space<hbm>> -> memref<1x64xf32, #tpu.memory_space<hbm>>
        %dma_wait3A_52 = tpu.memref_squeeze %dma_wait3A_51 : memref<1x64xf32, #tpu.memory_space<hbm>> -> memref<64xf32, #tpu.memory_space<hbm>>
        tpu.wait_dma2 semaphore(%run_scoped3A : memref<!tpu.dma_semaphore, #tpu.memory_space<semaphore_mem>>) src(%dma_wait3A_52 : memref<64xf32, #tpu.memory_space<hbm>>) dst(%dma_wait3A_49 : memref<64xf32, #tpu.memory_space<vmem>>)
        tpu.yield
      }) : () -> ()
      %scan3A_30 = arith.constant 0 : i32
      scf.yield %scan3A_30 : i32
    }
    %scan3A_6 = arith.constant 366 : i32
    %scan3A_7 = arith.constant 0 : i32
    %scan3A_8 = arith.constant 0 : i32
    %scan3A_9 = arith.constant 64 : i32
    %scan3A_10 = arith.addi %scan3A_8, %scan3A_9 : i32
    %scan3A_11 = arith.constant 4 : i32
    %scan3A_12 = scf.for %scan3A_28 = %scan3A_8 to %scan3A_10 step %scan3A_11 iter_args(%scan3A_29 = %scan3A_7) -> (i32)  : i32 {
      %mul3A_30 = arith.constant 16 : i32
      %mul3A_31 = arith.muli %scan3A_28, %mul3A_30 : i32
      %get3A = arith.index_cast %mul3A_31 : i32 to index
      %get3A_32 = tpu.vector_load %arg19[%get3A] {strides = array<i32>} : memref<1024xi32, #tpu.memory_space<vmem>>, vector<16xi32>,
      %convert_element_type3A = arith.sitofp %get3A_32 : vector<16xi32> to vector<16xf32>
      %div3A = arith.constant 2.740000e+03 : f32
      %div3A_33 = vector.broadcast %div3A : f32 to vector<16xf32>
      %div3A_34 = arith.divf %convert_element_type3A, %div3A_33 : vector<16xf32>
      %convert_element_type3A_35 = arith.fptosi %div3A_34 : vector<16xf32> to vector<16xi32>
      %mul3A_36 = arith.constant 16 : i32
      %mul3A_37 = arith.muli %scan3A_28, %mul3A_36 : i32
      %swap3A = arith.index_cast %mul3A_37 : i32 to index
      %swap3A_38 = tpu.vector_load %arg19[%swap3A] {strides = array<i32>} : memref<1024xi32, #tpu.memory_space<vmem>>, vector<16xi32>,
      tpu.vector_store %arg19[%swap3A], %convert_element_type3A_35 {strides = array<i32>} : memref<1024xi32, #tpu.memory_space<vmem>>, vector<16xi32>,
      %scan3A_39 = arith.constant 0 : i32
      %scan3A_40 = arith.constant 1 : i32
      %scan3A_41 = arith.addi %scan3A_28, %scan3A_40 : i32
      %mul3A_42 = arith.constant 16 : i32
      %mul3A_43 = arith.muli %scan3A_41, %mul3A_42 : i32
      %get3A_44 = arith.index_cast %mul3A_43 : i32 to index
      %get3A_45 = tpu.vector_load %arg19[%get3A_44] {strides = array<i32>} : memref<1024xi32, #tpu.memory_space<vmem>>, vector<16xi32>,
      %convert_element_type3A_46 = arith.sitofp %get3A_45 : vector<16xi32> to vector<16xf32>
      %div3A_47 = arith.constant 2.740000e+03 : f32
      %div3A_48 = vector.broadcast %div3A_47 : f32 to vector<16xf32>
      %div3A_49 = arith.divf %convert_element_type3A_46, %div3A_48 : vector<16xf32>
      %convert_element_type3A_50 = arith.fptosi %div3A_49 : vector<16xf32> to vector<16xi32>
      %mul3A_51 = arith.constant 16 : i32
      %mul3A_52 = arith.muli %scan3A_41, %mul3A_51 : i32
      %swap3A_53 = arith.index_cast %mul3A_52 : i32 to index
      %swap3A_54 = tpu.vector_load %arg19[%swap3A_53] {strides = array<i32>} : memref<1024xi32, #tpu.memory_space<vmem>>, vector<16xi32>,
      tpu.vector_store %arg19[%swap3A_53], %convert_element_type3A_50 {strides = array<i32>} : memref<1024xi32, #tpu.memory_space<vmem>>, vector<16xi32>,
      %scan3A_55 = arith.constant 0 : i32
      %scan3A_56 = arith.constant 2 : i32
      %scan3A_57 = arith.addi %scan3A_28, %scan3A_56 : i32
      %mul3A_58 = arith.constant 16 : i32
      %mul3A_59 = arith.muli %scan3A_57, %mul3A_58 : i32
      %get3A_60 = arith.index_cast %mul3A_59 : i32 to index
      %get3A_61 = tpu.vector_load %arg19[%get3A_60] {strides = array<i32>} : memref<1024xi32, #tpu.memory_space<vmem>>, vector<16xi32>,
      %convert_element_type3A_62 = arith.sitofp %get3A_61 : vector<16xi32> to vector<16xf32>
      %div3A_63 = arith.constant 2.740000e+03 : f32
      %div3A_64 = vector.broadcast %div3A_63 : f32 to vector<16xf32>
      %div3A_65 = arith.divf %convert_element_type3A_62, %div3A_64 : vector<16xf32>
      %convert_element_type3A_66 = arith.fptosi %div3A_65 : vector<16xf32> to vector<16xi32>
      %mul3A_67 = arith.constant 16 : i32
      %mul3A_68 = arith.muli %scan3A_57, %mul3A_67 : i32
      %swap3A_69 = arith.index_cast %mul3A_68 : i32 to index
      %swap3A_70 = tpu.vector_load %arg19[%swap3A_69] {strides = array<i32>} : memref<1024xi32, #tpu.memory_space<vmem>>, vector<16xi32>,
      tpu.vector_store %arg19[%swap3A_69], %convert_element_type3A_66 {strides = array<i32>} : memref<1024xi32, #tpu.memory_space<vmem>>, vector<16xi32>,
      %scan3A_71 = arith.constant 0 : i32
      %scan3A_72 = arith.constant 3 : i32
      %scan3A_73 = arith.addi %scan3A_28, %scan3A_72 : i32
      %mul3A_74 = arith.constant 16 : i32
      %mul3A_75 = arith.muli %scan3A_73, %mul3A_74 : i32
      %get3A_76 = arith.index_cast %mul3A_75 : i32 to index
      %get3A_77 = tpu.vector_load %arg19[%get3A_76] {strides = array<i32>} : memref<1024xi32, #tpu.memory_space<vmem>>, vector<16xi32>,
      %convert_element_type3A_78 = arith.sitofp %get3A_77 : vector<16xi32> to vector<16xf32>
      %div3A_79 = arith.constant 2.740000e+03 : f32
      %div3A_80 = vector.broadcast %div3A_79 : f32 to vector<16xf32>
      %div3A_81 = arith.divf %convert_element_type3A_78, %div3A_80 : vector<16xf32>
      %convert_element_type3A_82 = arith.fptosi %div3A_81 : vector<16xf32> to vector<16xi32>
      %mul3A_83 = arith.constant 16 : i32
      %mul3A_84 = arith.muli %scan3A_73, %mul3A_83 : i32
      %swap3A_85 = arith.index_cast %mul3A_84 : i32 to index
      %swap3A_86 = tpu.vector_load %arg19[%swap3A_85] {strides = array<i32>} : memref<1024xi32, #tpu.memory_space<vmem>>, vector<16xi32>,
      tpu.vector_store %arg19[%swap3A_85], %convert_element_type3A_82 {strides = array<i32>} : memref<1024xi32, #tpu.memory_space<vmem>>, vector<16xi32>,
      %scan3A_87 = arith.constant 0 : i32
      scf.yield %scan3A_87 : i32
    }
    %scan3A_13 = arith.constant 64 : i32
    %scan3A_14 = arith.constant 0 : i32
    %scan3A_15 = arith.constant 0 : i32
    %scan3A_16 = arith.constant 64 : i32
    %scan3A_17 = arith.addi %scan3A_15, %scan3A_16 : i32
    %scan3A_18 = arith.constant 4 : i32
    %scan3A_19 = scf.for %scan3A_28 = %scan3A_15 to %scan3A_17 step %scan3A_18 iter_args(%scan3A_29 = %scan3A_14) -> (i32)  : i32 {
      %broadcast_in_dim3A = arith.constant 0.000000e+00 : f32
      %broadcast_in_dim3A_30 = vector.broadcast %broadcast_in_dim3A : f32 to vector<16xf32>
      %mul3A_31 = arith.constant 16 : i32
      %mul3A_32 = arith.muli %scan3A_28, %mul3A_31 : i32
      %swap3A = arith.index_cast %mul3A_32 : i32 to index
      %swap3A_33 = tpu.vector_load %arg27[%swap3A] {strides = array<i32>} : memref<1024xf32, #tpu.memory_space<vmem>>, vector<16xf32>,
      tpu.vector_store %arg27[%swap3A], %broadcast_in_dim3A_30 {strides = array<i32>} : memref<1024xf32, #tpu.memory_space<vmem>>, vector<16xf32>,
      %scan3A_34 = arith.constant 0 : i32
      %scan3A_35 = arith.constant 1 : i32
      %scan3A_36 = arith.addi %scan3A_28, %scan3A_35 : i32
      %broadcast_in_dim3A_37 = arith.constant 0.000000e+00 : f32
      %broadcast_in_dim3A_38 = vector.broadcast %broadcast_in_dim3A_37 : f32 to vector<16xf32>
      %mul3A_39 = arith.constant 16 : i32
      %mul3A_40 = arith.muli %scan3A_36, %mul3A_39 : i32
      %swap3A_41 = arith.index_cast %mul3A_40 : i32 to index
      %swap3A_42 = tpu.vector_load %arg27[%swap3A_41] {strides = array<i32>} : memref<1024xf32, #tpu.memory_space<vmem>>, vector<16xf32>,
      tpu.vector_store %arg27[%swap3A_41], %broadcast_in_dim3A_38 {strides = array<i32>} : memref<1024xf32, #tpu.memory_space<vmem>>, vector<16xf32>,
      %scan3A_43 = arith.constant 0 : i32
      %scan3A_44 = arith.constant 2 : i32
      %scan3A_45 = arith.addi %scan3A_28, %scan3A_44 : i32
      %broadcast_in_dim3A_46 = arith.constant 0.000000e+00 : f32
      %broadcast_in_dim3A_47 = vector.broadcast %broadcast_in_dim3A_46 : f32 to vector<16xf32>
      %mul3A_48 = arith.constant 16 : i32
      %mul3A_49 = arith.muli %scan3A_45, %mul3A_48 : i32
      %swap3A_50 = arith.index_cast %mul3A_49 : i32 to index
      %swap3A_51 = tpu.vector_load %arg27[%swap3A_50] {strides = array<i32>} : memref<1024xf32, #tpu.memory_space<vmem>>, vector<16xf32>,
      tpu.vector_store %arg27[%swap3A_50], %broadcast_in_dim3A_47 {strides = array<i32>} : memref<1024xf32, #tpu.memory_space<vmem>>, vector<16xf32>,
      %scan3A_52 = arith.constant 0 : i32
      %scan3A_53 = arith.constant 3 : i32
      %scan3A_54 = arith.addi %scan3A_28, %scan3A_53 : i32
      %broadcast_in_dim3A_55 = arith.constant 0.000000e+00 : f32
      %broadcast_in_dim3A_56 = vector.broadcast %broadcast_in_dim3A_55 : f32 to vector<16xf32>
      %mul3A_57 = arith.constant 16 : i32
      %mul3A_58 = arith.muli %scan3A_54, %mul3A_57 : i32
      %swap3A_59 = arith.index_cast %mul3A_58 : i32 to index
      %swap3A_60 = tpu.vector_load %arg27[%swap3A_59] {strides = array<i32>} : memref<1024xf32, #tpu.memory_space<vmem>>, vector<16xf32>,
      tpu.vector_store %arg27[%swap3A_59], %broadcast_in_dim3A_56 {strides = array<i32>} : memref<1024xf32, #tpu.memory_space<vmem>>, vector<16xf32>,
      %scan3A_61 = arith.constant 0 : i32
      scf.yield %scan3A_61 : i32
    }
    %scan3A_20 = arith.constant 64 : i32
    %scan3A_21 = arith.constant 0 : i32
    %scan3A_22 = arith.constant 0 : i32
    %scan3A_23 = arith.constant 32 : i32
    %scan3A_24 = arith.addi %scan3A_22, %scan3A_23 : i32
    %scan3A_25 = arith.constant 1 : i32
    %scan3A_26 = scf.for %scan3A_28 = %scan3A_22 to %scan3A_24 step %scan3A_25 iter_args(%scan3A_29 = %scan3A_21) -> (i32)  : i32 {
      %mul3A_30 = arith.constant 32 : i32
      %mul3A_31 = arith.muli %arg0, %mul3A_30 : i32
      %add3A = arith.addi %mul3A_31, %scan3A_28 : i32
      %mul3A_32 = arith.constant 62464 : i32
      %mul3A_33 = arith.muli %arg1, %mul3A_32 : i32
      %multiple_of3A = tpu.assume_multiple %mul3A_33, 128 : i32
      %dma_start3A = tpu.memref_slice %arg29[%multiple_of3A] : memref<1000000xf32, #tpu.memory_space<vmem_shared>> -> memref<62464xf32, #tpu.memory_space<vmem_shared>>
      %dma_start3A_34 = tpu.memref_slice %arg6[%add3A, %multiple_of3A] : memref<64x1000000xf32, #tpu.memory_space<hbm>> -> memref<1x62464xf32, #tpu.memory_space<hbm>>
      %dma_start3A_35 = tpu.memref_squeeze %dma_start3A_34 : memref<1x62464xf32, #tpu.memory_space<hbm>> -> memref<62464xf32, #tpu.memory_space<hbm>>
      tpu.enqueue_dma source(%dma_start3A_35 : memref<62464xf32, #tpu.memory_space<hbm>>) target(%dma_start3A : memref<62464xf32, #tpu.memory_space<vmem_shared>>) target_semaphore(%arg30 : memref<!tpu.dma_semaphore, #tpu.memory_space<semaphore_mem>>)
      %eq3A = arith.constant 15 : i32
      %eq3A_36 = arith.cmpi eq, %arg1, %eq3A : i32
      %convert_element_type3A = arith.extui %eq3A_36 : i1 to i32
      %cond3A = arith.constant 0 : i32
      %cond3A_37 = arith.cmpi ne, %convert_element_type3A, %cond3A : i32
      scf.if %cond3A_37 {
        %mul3A_673 = arith.constant 576 : i32
        %mul3A_674 = arith.muli %add3A, %mul3A_673 : i32
        "tpu.region"() ({
          %run_scoped3A = tpu.sem_alloc : memref<!tpu.dma_semaphore, #tpu.memory_space<semaphore_mem>>
          %dma_start3A_675 = tpu.memref_slice %arg10[%mul3A_674] : memref<36864xf32, #tpu.memory_space<hbm>> -> memref<576xf32, #tpu.memory_space<hbm>>
          %dma_start3A_676 = tpu.memref_slice %arg10[%mul3A_674] : memref<36864xf32, #tpu.memory_space<hbm>> -> memref<576xf32, #tpu.memory_space<hbm>>
          tpu.enqueue_dma source(%dma_start3A_676 : memref<576xf32, #tpu.memory_space<hbm>>) target(%arg28 : memref<576xf32, #tpu.memory_space<vmem>>) target_semaphore(%run_scoped3A : memref<!tpu.dma_semaphore, #tpu.memory_space<semaphore_mem>>)
          %dma_wait3A_677 = tpu.memref_slice %arg10[%mul3A_674] : memref<36864xf32, #tpu.memory_space<hbm>> -> memref<576xf32, #tpu.memory_space<hbm>>
          %dma_wait3A_678 = tpu.memref_slice %arg10[%mul3A_674] : memref<36864xf32, #tpu.memory_space<hbm>> -> memref<576xf32, #tpu.memory_space<hbm>>
          tpu.wait_dma2 semaphore(%run_scoped3A : memref<!tpu.dma_semaphore, #tpu.memory_space<semaphore_mem>>) src(%dma_wait3A_678 : memref<576xf32, #tpu.memory_space<hbm>>) dst(%arg28 : memref<576xf32, #tpu.memory_space<vmem>>)
          tpu.yield
        }) : () -> ()
        "tpu.region"() ({
          %run_scoped3A = tpu.sem_alloc : memref<!tpu.dma_semaphore, #tpu.memory_space<semaphore_mem>>
          %dma_start3A_675 = arith.constant 999424 : i32
          %dma_start3A_676 = tpu.memref_slice %arg29[%dma_start3A_675] : memref<1000000xf32, #tpu.memory_space<vmem_shared>> -> memref<576xf32, #tpu.memory_space<vmem_shared>>
          %dma_start3A_677 = arith.constant 999424 : i32
          %dma_start3A_678 = tpu.memref_slice %arg29[%dma_start3A_677] : memref<1000000xf32, #tpu.memory_space<vmem_shared>> -> memref<576xf32, #tpu.memory_space<vmem_shared>>
          tpu.enqueue_dma source(%arg28 : memref<576xf32, #tpu.memory_space<vmem>>) target(%dma_start3A_678 : memref<576xf32, #tpu.memory_space<vmem_shared>>) target_semaphore(%run_scoped3A : memref<!tpu.dma_semaphore, #tpu.memory_space<semaphore_mem>>)
          %dma_wait3A_679 = arith.constant 999424 : i32
          %dma_wait3A_680 = tpu.memref_slice %arg29[%dma_wait3A_679] : memref<1000000xf32, #tpu.memory_space<vmem_shared>> -> memref<576xf32, #tpu.memory_space<vmem_shared>>
          %dma_wait3A_681 = arith.constant 999424 : i32
          %dma_wait3A_682 = tpu.memref_slice %arg29[%dma_wait3A_681] : memref<1000000xf32, #tpu.memory_space<vmem_shared>> -> memref<576xf32, #tpu.memory_space<vmem_shared>>
          tpu.wait_dma2 semaphore(%run_scoped3A : memref<!tpu.dma_semaphore, #tpu.memory_space<semaphore_mem>>) src(%arg28 : memref<576xf32, #tpu.memory_space<vmem>>) dst(%dma_wait3A_682 : memref<576xf32, #tpu.memory_space<vmem_shared>>)
          tpu.yield
        }) : () -> ()
      } else {
      }
      %dma_wait3A = tpu.memref_slice %arg29[%multiple_of3A] : memref<1000000xf32, #tpu.memory_space<vmem_shared>> -> memref<62464xf32, #tpu.memory_space<vmem_shared>>
      %dma_wait3A_38 = tpu.memref_slice %arg6[%add3A, %multiple_of3A] : memref<64x1000000xf32, #tpu.memory_space<hbm>> -> memref<1x62464xf32, #tpu.memory_space<hbm>>
      %dma_wait3A_39 = tpu.memref_squeeze %dma_wait3A_38 : memref<1x62464xf32, #tpu.memory_space<hbm>> -> memref<62464xf32, #tpu.memory_space<hbm>>
      tpu.wait_dma2 semaphore(%arg30 : memref<!tpu.dma_semaphore, #tpu.memory_space<semaphore_mem>>) src(%dma_wait3A_39 : memref<62464xf32, #tpu.memory_space<hbm>>) dst(%dma_wait3A : memref<62464xf32, #tpu.memory_space<vmem_shared>>)
      %barrier3A = arith.constant 0 : index
      tpu.barrier barrier_id(%barrier3A)
      %dma_start3A_40 = arith.constant 0 : i32
      %dma_start3A_41 = tpu.memref_slice %arg20[%dma_start3A_40] : memref<1024xf32, #tpu.memory_space<vmem>> -> memref<128xf32, #tpu.memory_space<vmem>>
      %dma_start3A_42 = arith.constant 0 : i32
      %dma_start3A_43 = tpu.memref_slice %arg16[%dma_start3A_42] : memref<1024xi32, #tpu.memory_space<vmem>> -> memref<128xi32, #tpu.memory_space<vmem>>
      %dma_start3A_44 = arith.constant 0 : i32
      %dma_start3A_45 = tpu.memref_slice %arg29[%dma_start3A_44] : memref<1000000xf32, #tpu.memory_space<vmem_shared>> -> memref<1000000xf32, #tpu.memory_space<vmem_shared>>
      tpu.enqueue_indirect_dma source(%dma_start3A_45 : memref<1000000xf32, #tpu.memory_space<vmem_shared>>) target(%dma_start3A_41 : memref<128xf32, #tpu.memory_space<vmem>>) offsets(%dma_start3A_43 : memref<128xi32, #tpu.memory_space<vmem>>) semaphore(%arg31 : memref<!tpu.dma_semaphore, #tpu.memory_space<semaphore_mem>>)
      %dma_start3A_46 = arith.constant 128 : i32
      %dma_start3A_47 = tpu.memref_slice %arg20[%dma_start3A_46] : memref<1024xf32, #tpu.memory_space<vmem>> -> memref<128xf32, #tpu.memory_space<vmem>>
      %dma_start3A_48 = arith.constant 128 : i32
      %dma_start3A_49 = tpu.memref_slice %arg16[%dma_start3A_48] : memref<1024xi32, #tpu.memory_space<vmem>> -> memref<128xi32, #tpu.memory_space<vmem>>
      %dma_start3A_50 = arith.constant 0 : i32
      %dma_start3A_51 = tpu.memref_slice %arg29[%dma_start3A_50] : memref<1000000xf32, #tpu.memory_space<vmem_shared>> -> memref<1000000xf32, #tpu.memory_space<vmem_shared>>
      tpu.enqueue_indirect_dma source(%dma_start3A_51 : memref<1000000xf32, #tpu.memory_space<vmem_shared>>) target(%dma_start3A_47 : memref<128xf32, #tpu.memory_space<vmem>>) offsets(%dma_start3A_49 : memref<128xi32, #tpu.memory_space<vmem>>) semaphore(%arg31 : memref<!tpu.dma_semaphore, #tpu.memory_space<semaphore_mem>>)
      %dma_start3A_52 = arith.constant 256 : i32
      %dma_start3A_53 = tpu.memref_slice %arg20[%dma_start3A_52] : memref<1024xf32, #tpu.memory_space<vmem>> -> memref<128xf32, #tpu.memory_space<vmem>>
      %dma_start3A_54 = arith.constant 256 : i32
      %dma_start3A_55 = tpu.memref_slice %arg16[%dma_start3A_54] : memref<1024xi32, #tpu.memory_space<vmem>> -> memref<128xi32, #tpu.memory_space<vmem>>
      %dma_start3A_56 = arith.constant 0 : i32
      %dma_start3A_57 = tpu.memref_slice %arg29[%dma_start3A_56] : memref<1000000xf32, #tpu.memory_space<vmem_shared>> -> memref<1000000xf32, #tpu.memory_space<vmem_shared>>
      tpu.enqueue_indirect_dma source(%dma_start3A_57 : memref<1000000xf32, #tpu.memory_space<vmem_shared>>) target(%dma_start3A_53 : memref<128xf32, #tpu.memory_space<vmem>>) offsets(%dma_start3A_55 : memref<128xi32, #tpu.memory_space<vmem>>) semaphore(%arg31 : memref<!tpu.dma_semaphore, #tpu.memory_space<semaphore_mem>>)
      %dma_start3A_58 = arith.constant 384 : i32
      %dma_start3A_59 = tpu.memref_slice %arg20[%dma_start3A_58] : memref<1024xf32, #tpu.memory_space<vmem>> -> memref<128xf32, #tpu.memory_space<vmem>>
      %dma_start3A_60 = arith.constant 384 : i32
      %dma_start3A_61 = tpu.memref_slice %arg16[%dma_start3A_60] : memref<1024xi32, #tpu.memory_space<vmem>> -> memref<128xi32, #tpu.memory_space<vmem>>
      %dma_start3A_62 = arith.constant 0 : i32
      %dma_start3A_63 = tpu.memref_slice %arg29[%dma_start3A_62] : memref<1000000xf32, #tpu.memory_space<vmem_shared>> -> memref<1000000xf32, #tpu.memory_space<vmem_shared>>
      tpu.enqueue_indirect_dma source(%dma_start3A_63 : memref<1000000xf32, #tpu.memory_space<vmem_shared>>) target(%dma_start3A_59 : memref<128xf32, #tpu.memory_space<vmem>>) offsets(%dma_start3A_61 : memref<128xi32, #tpu.memory_space<vmem>>) semaphore(%arg31 : memref<!tpu.dma_semaphore, #tpu.memory_space<semaphore_mem>>)
      %dma_start3A_64 = arith.constant 512 : i32
      %dma_start3A_65 = tpu.memref_slice %arg20[%dma_start3A_64] : memref<1024xf32, #tpu.memory_space<vmem>> -> memref<128xf32, #tpu.memory_space<vmem>>
      %dma_start3A_66 = arith.constant 512 : i32
      %dma_start3A_67 = tpu.memref_slice %arg16[%dma_start3A_66] : memref<1024xi32, #tpu.memory_space<vmem>> -> memref<128xi32, #tpu.memory_space<vmem>>
      %dma_start3A_68 = arith.constant 0 : i32
      %dma_start3A_69 = tpu.memref_slice %arg29[%dma_start3A_68] : memref<1000000xf32, #tpu.memory_space<vmem_shared>> -> memref<1000000xf32, #tpu.memory_space<vmem_shared>>
      tpu.enqueue_indirect_dma source(%dma_start3A_69 : memref<1000000xf32, #tpu.memory_space<vmem_shared>>) target(%dma_start3A_65 : memref<128xf32, #tpu.memory_space<vmem>>) offsets(%dma_start3A_67 : memref<128xi32, #tpu.memory_space<vmem>>) semaphore(%arg31 : memref<!tpu.dma_semaphore, #tpu.memory_space<semaphore_mem>>)
      %dma_start3A_70 = arith.constant 640 : i32
      %dma_start3A_71 = tpu.memref_slice %arg20[%dma_start3A_70] : memref<1024xf32, #tpu.memory_space<vmem>> -> memref<128xf32, #tpu.memory_space<vmem>>
      %dma_start3A_72 = arith.constant 640 : i32
      %dma_start3A_73 = tpu.memref_slice %arg16[%dma_start3A_72] : memref<1024xi32, #tpu.memory_space<vmem>> -> memref<128xi32, #tpu.memory_space<vmem>>
      %dma_start3A_74 = arith.constant 0 : i32
      %dma_start3A_75 = tpu.memref_slice %arg29[%dma_start3A_74] : memref<1000000xf32, #tpu.memory_space<vmem_shared>> -> memref<1000000xf32, #tpu.memory_space<vmem_shared>>
      tpu.enqueue_indirect_dma source(%dma_start3A_75 : memref<1000000xf32, #tpu.memory_space<vmem_shared>>) target(%dma_start3A_71 : memref<128xf32, #tpu.memory_space<vmem>>) offsets(%dma_start3A_73 : memref<128xi32, #tpu.memory_space<vmem>>) semaphore(%arg31 : memref<!tpu.dma_semaphore, #tpu.memory_space<semaphore_mem>>)
      %dma_start3A_76 = arith.constant 768 : i32
      %dma_start3A_77 = tpu.memref_slice %arg20[%dma_start3A_76] : memref<1024xf32, #tpu.memory_space<vmem>> -> memref<128xf32, #tpu.memory_space<vmem>>
      %dma_start3A_78 = arith.constant 768 : i32
      %dma_start3A_79 = tpu.memref_slice %arg16[%dma_start3A_78] : memref<1024xi32, #tpu.memory_space<vmem>> -> memref<128xi32, #tpu.memory_space<vmem>>
      %dma_start3A_80 = arith.constant 0 : i32
      %dma_start3A_81 = tpu.memref_slice %arg29[%dma_start3A_80] : memref<1000000xf32, #tpu.memory_space<vmem_shared>> -> memref<1000000xf32, #tpu.memory_space<vmem_shared>>
      tpu.enqueue_indirect_dma source(%dma_start3A_81 : memref<1000000xf32, #tpu.memory_space<vmem_shared>>) target(%dma_start3A_77 : memref<128xf32, #tpu.memory_space<vmem>>) offsets(%dma_start3A_79 : memref<128xi32, #tpu.memory_space<vmem>>) semaphore(%arg31 : memref<!tpu.dma_semaphore, #tpu.memory_space<semaphore_mem>>)
      %dma_start3A_82 = arith.constant 896 : i32
      %dma_start3A_83 = tpu.memref_slice %arg20[%dma_start3A_82] : memref<1024xf32, #tpu.memory_space<vmem>> -> memref<128xf32, #tpu.memory_space<vmem>>
      %dma_start3A_84 = arith.constant 896 : i32
      %dma_start3A_85 = tpu.memref_slice %arg16[%dma_start3A_84] : memref<1024xi32, #tpu.memory_space<vmem>> -> memref<128xi32, #tpu.memory_space<vmem>>
      %dma_start3A_86 = arith.constant 0 : i32
      %dma_start3A_87 = tpu.memref_slice %arg29[%dma_start3A_86] : memref<1000000xf32, #tpu.memory_space<vmem_shared>> -> memref<1000000xf32, #tpu.memory_space<vmem_shared>>
      tpu.enqueue_indirect_dma source(%dma_start3A_87 : memref<1000000xf32, #tpu.memory_space<vmem_shared>>) target(%dma_start3A_83 : memref<128xf32, #tpu.memory_space<vmem>>) offsets(%dma_start3A_85 : memref<128xi32, #tpu.memory_space<vmem>>) semaphore(%arg31 : memref<!tpu.dma_semaphore, #tpu.memory_space<semaphore_mem>>)
      %dma_start3A_88 = arith.constant 0 : i32
      %dma_start3A_89 = tpu.memref_slice %arg22[%dma_start3A_88] : memref<1024xf32, #tpu.memory_space<vmem>> -> memref<128xf32, #tpu.memory_space<vmem>>
      %dma_start3A_90 = arith.constant 0 : i32
      %dma_start3A_91 = tpu.memref_slice %arg17[%dma_start3A_90] : memref<1024xi32, #tpu.memory_space<vmem>> -> memref<128xi32, #tpu.memory_space<vmem>>
      %dma_start3A_92 = arith.constant 0 : i32
      %dma_start3A_93 = tpu.memref_slice %arg29[%dma_start3A_92] : memref<1000000xf32, #tpu.memory_space<vmem_shared>> -> memref<1000000xf32, #tpu.memory_space<vmem_shared>>
      tpu.enqueue_indirect_dma source(%dma_start3A_93 : memref<1000000xf32, #tpu.memory_space<vmem_shared>>) target(%dma_start3A_89 : memref<128xf32, #tpu.memory_space<vmem>>) offsets(%dma_start3A_91 : memref<128xi32, #tpu.memory_space<vmem>>) semaphore(%arg31 : memref<!tpu.dma_semaphore, #tpu.memory_space<semaphore_mem>>)
      %dma_start3A_94 = arith.constant 128 : i32
      %dma_start3A_95 = tpu.memref_slice %arg22[%dma_start3A_94] : memref<1024xf32, #tpu.memory_space<vmem>> -> memref<128xf32, #tpu.memory_space<vmem>>
      %dma_start3A_96 = arith.constant 128 : i32
      %dma_start3A_97 = tpu.memref_slice %arg17[%dma_start3A_96] : memref<1024xi32, #tpu.memory_space<vmem>> -> memref<128xi32, #tpu.memory_space<vmem>>
      %dma_start3A_98 = arith.constant 0 : i32
      %dma_start3A_99 = tpu.memref_slice %arg29[%dma_start3A_98] : memref<1000000xf32, #tpu.memory_space<vmem_shared>> -> memref<1000000xf32, #tpu.memory_space<vmem_shared>>
      tpu.enqueue_indirect_dma source(%dma_start3A_99 : memref<1000000xf32, #tpu.memory_space<vmem_shared>>) target(%dma_start3A_95 : memref<128xf32, #tpu.memory_space<vmem>>) offsets(%dma_start3A_97 : memref<128xi32, #tpu.memory_space<vmem>>) semaphore(%arg31 : memref<!tpu.dma_semaphore, #tpu.memory_space<semaphore_mem>>)
      %dma_start3A_100 = arith.constant 256 : i32
      %dma_start3A_101 = tpu.memref_slice %arg22[%dma_start3A_100] : memref<1024xf32, #tpu.memory_space<vmem>> -> memref<128xf32, #tpu.memory_space<vmem>>
      %dma_start3A_102 = arith.constant 256 : i32
      %dma_start3A_103 = tpu.memref_slice %arg17[%dma_start3A_102] : memref<1024xi32, #tpu.memory_space<vmem>> -> memref<128xi32, #tpu.memory_space<vmem>>
      %dma_start3A_104 = arith.constant 0 : i32
      %dma_start3A_105 = tpu.memref_slice %arg29[%dma_start3A_104] : memref<1000000xf32, #tpu.memory_space<vmem_shared>> -> memref<1000000xf32, #tpu.memory_space<vmem_shared>>
      tpu.enqueue_indirect_dma source(%dma_start3A_105 : memref<1000000xf32, #tpu.memory_space<vmem_shared>>) target(%dma_start3A_101 : memref<128xf32, #tpu.memory_space<vmem>>) offsets(%dma_start3A_103 : memref<128xi32, #tpu.memory_space<vmem>>) semaphore(%arg31 : memref<!tpu.dma_semaphore, #tpu.memory_space<semaphore_mem>>)
      %dma_start3A_106 = arith.constant 384 : i32
      %dma_start3A_107 = tpu.memref_slice %arg22[%dma_start3A_106] : memref<1024xf32, #tpu.memory_space<vmem>> -> memref<128xf32, #tpu.memory_space<vmem>>
      %dma_start3A_108 = arith.constant 384 : i32
      %dma_start3A_109 = tpu.memref_slice %arg17[%dma_start3A_108] : memref<1024xi32, #tpu.memory_space<vmem>> -> memref<128xi32, #tpu.memory_space<vmem>>
      %dma_start3A_110 = arith.constant 0 : i32
      %dma_start3A_111 = tpu.memref_slice %arg29[%dma_start3A_110] : memref<1000000xf32, #tpu.memory_space<vmem_shared>> -> memref<1000000xf32, #tpu.memory_space<vmem_shared>>
      tpu.enqueue_indirect_dma source(%dma_start3A_111 : memref<1000000xf32, #tpu.memory_space<vmem_shared>>) target(%dma_start3A_107 : memref<128xf32, #tpu.memory_space<vmem>>) offsets(%dma_start3A_109 : memref<128xi32, #tpu.memory_space<vmem>>) semaphore(%arg31 : memref<!tpu.dma_semaphore, #tpu.memory_space<semaphore_mem>>)
      %dma_start3A_112 = arith.constant 512 : i32
      %dma_start3A_113 = tpu.memref_slice %arg22[%dma_start3A_112] : memref<1024xf32, #tpu.memory_space<vmem>> -> memref<128xf32, #tpu.memory_space<vmem>>
      %dma_start3A_114 = arith.constant 512 : i32
      %dma_start3A_115 = tpu.memref_slice %arg17[%dma_start3A_114] : memref<1024xi32, #tpu.memory_space<vmem>> -> memref<128xi32, #tpu.memory_space<vmem>>
      %dma_start3A_116 = arith.constant 0 : i32
      %dma_start3A_117 = tpu.memref_slice %arg29[%dma_start3A_116] : memref<1000000xf32, #tpu.memory_space<vmem_shared>> -> memref<1000000xf32, #tpu.memory_space<vmem_shared>>
      tpu.enqueue_indirect_dma source(%dma_start3A_117 : memref<1000000xf32, #tpu.memory_space<vmem_shared>>) target(%dma_start3A_113 : memref<128xf32, #tpu.memory_space<vmem>>) offsets(%dma_start3A_115 : memref<128xi32, #tpu.memory_space<vmem>>) semaphore(%arg31 : memref<!tpu.dma_semaphore, #tpu.memory_space<semaphore_mem>>)
      %dma_start3A_118 = arith.constant 640 : i32
      %dma_start3A_119 = tpu.memref_slice %arg22[%dma_start3A_118] : memref<1024xf32, #tpu.memory_space<vmem>> -> memref<128xf32, #tpu.memory_space<vmem>>
      %dma_start3A_120 = arith.constant 640 : i32
      %dma_start3A_121 = tpu.memref_slice %arg17[%dma_start3A_120] : memref<1024xi32, #tpu.memory_space<vmem>> -> memref<128xi32, #tpu.memory_space<vmem>>
      %dma_start3A_122 = arith.constant 0 : i32
      %dma_start3A_123 = tpu.memref_slice %arg29[%dma_start3A_122] : memref<1000000xf32, #tpu.memory_space<vmem_shared>> -> memref<1000000xf32, #tpu.memory_space<vmem_shared>>
      tpu.enqueue_indirect_dma source(%dma_start3A_123 : memref<1000000xf32, #tpu.memory_space<vmem_shared>>) target(%dma_start3A_119 : memref<128xf32, #tpu.memory_space<vmem>>) offsets(%dma_start3A_121 : memref<128xi32, #tpu.memory_space<vmem>>) semaphore(%arg31 : memref<!tpu.dma_semaphore, #tpu.memory_space<semaphore_mem>>)
      %dma_start3A_124 = arith.constant 768 : i32
      %dma_start3A_125 = tpu.memref_slice %arg22[%dma_start3A_124] : memref<1024xf32, #tpu.memory_space<vmem>> -> memref<128xf32, #tpu.memory_space<vmem>>
      %dma_start3A_126 = arith.constant 768 : i32
      %dma_start3A_127 = tpu.memref_slice %arg17[%dma_start3A_126] : memref<1024xi32, #tpu.memory_space<vmem>> -> memref<128xi32, #tpu.memory_space<vmem>>
      %dma_start3A_128 = arith.constant 0 : i32
      %dma_start3A_129 = tpu.memref_slice %arg29[%dma_start3A_128] : memref<1000000xf32, #tpu.memory_space<vmem_shared>> -> memref<1000000xf32, #tpu.memory_space<vmem_shared>>
      tpu.enqueue_indirect_dma source(%dma_start3A_129 : memref<1000000xf32, #tpu.memory_space<vmem_shared>>) target(%dma_start3A_125 : memref<128xf32, #tpu.memory_space<vmem>>) offsets(%dma_start3A_127 : memref<128xi32, #tpu.memory_space<vmem>>) semaphore(%arg31 : memref<!tpu.dma_semaphore, #tpu.memory_space<semaphore_mem>>)
      %dma_start3A_130 = arith.constant 896 : i32
      %dma_start3A_131 = tpu.memref_slice %arg22[%dma_start3A_130] : memref<1024xf32, #tpu.memory_space<vmem>> -> memref<128xf32, #tpu.memory_space<vmem>>
      %dma_start3A_132 = arith.constant 896 : i32
      %dma_start3A_133 = tpu.memref_slice %arg17[%dma_start3A_132] : memref<1024xi32, #tpu.memory_space<vmem>> -> memref<128xi32, #tpu.memory_space<vmem>>
      %dma_start3A_134 = arith.constant 0 : i32
      %dma_start3A_135 = tpu.memref_slice %arg29[%dma_start3A_134] : memref<1000000xf32, #tpu.memory_space<vmem_shared>> -> memref<1000000xf32, #tpu.memory_space<vmem_shared>>
      tpu.enqueue_indirect_dma source(%dma_start3A_135 : memref<1000000xf32, #tpu.memory_space<vmem_shared>>) target(%dma_start3A_131 : memref<128xf32, #tpu.memory_space<vmem>>) offsets(%dma_start3A_133 : memref<128xi32, #tpu.memory_space<vmem>>) semaphore(%arg31 : memref<!tpu.dma_semaphore, #tpu.memory_space<semaphore_mem>>)
      %dma_wait3A_136 = arith.constant 0 : i32
      %dma_wait3A_137 = tpu.memref_slice %arg20[%dma_wait3A_136] : memref<1024xf32, #tpu.memory_space<vmem>> -> memref<128xf32, #tpu.memory_space<vmem>>
      %dma_wait3A_138 = arith.constant 0 : i32
      %dma_wait3A_139 = tpu.memref_slice %arg16[%dma_wait3A_138] : memref<1024xi32, #tpu.memory_space<vmem>> -> memref<128xi32, #tpu.memory_space<vmem>>
      %dma_wait3A_140 = arith.constant 0 : i32
      %dma_wait3A_141 = tpu.memref_slice %arg29[%dma_wait3A_140] : memref<1000000xf32, #tpu.memory_space<vmem_shared>> -> memref<1000000xf32, #tpu.memory_space<vmem_shared>>
      tpu.wait_indirect_dma semaphore(%arg31 : memref<!tpu.dma_semaphore, #tpu.memory_space<semaphore_mem>>) src(%dma_wait3A_141 : memref<1000000xf32, #tpu.memory_space<vmem_shared>>) dst(%dma_wait3A_137 : memref<128xf32, #tpu.memory_space<vmem>>)
      %dma_wait3A_142 = arith.constant 128 : i32
      %dma_wait3A_143 = tpu.memref_slice %arg20[%dma_wait3A_142] : memref<1024xf32, #tpu.memory_space<vmem>> -> memref<128xf32, #tpu.memory_space<vmem>>
      %dma_wait3A_144 = arith.constant 128 : i32
      %dma_wait3A_145 = tpu.memref_slice %arg16[%dma_wait3A_144] : memref<1024xi32, #tpu.memory_space<vmem>> -> memref<128xi32, #tpu.memory_space<vmem>>
      %dma_wait3A_146 = arith.constant 0 : i32
      %dma_wait3A_147 = tpu.memref_slice %arg29[%dma_wait3A_146] : memref<1000000xf32, #tpu.memory_space<vmem_shared>> -> memref<1000000xf32, #tpu.memory_space<vmem_shared>>
      tpu.wait_indirect_dma semaphore(%arg31 : memref<!tpu.dma_semaphore, #tpu.memory_space<semaphore_mem>>) src(%dma_wait3A_147 : memref<1000000xf32, #tpu.memory_space<vmem_shared>>) dst(%dma_wait3A_143 : memref<128xf32, #tpu.memory_space<vmem>>)
      %dma_wait3A_148 = arith.constant 256 : i32
      %dma_wait3A_149 = tpu.memref_slice %arg20[%dma_wait3A_148] : memref<1024xf32, #tpu.memory_space<vmem>> -> memref<128xf32, #tpu.memory_space<vmem>>
      %dma_wait3A_150 = arith.constant 256 : i32
      %dma_wait3A_151 = tpu.memref_slice %arg16[%dma_wait3A_150] : memref<1024xi32, #tpu.memory_space<vmem>> -> memref<128xi32, #tpu.memory_space<vmem>>
      %dma_wait3A_152 = arith.constant 0 : i32
      %dma_wait3A_153 = tpu.memref_slice %arg29[%dma_wait3A_152] : memref<1000000xf32, #tpu.memory_space<vmem_shared>> -> memref<1000000xf32, #tpu.memory_space<vmem_shared>>
      tpu.wait_indirect_dma semaphore(%arg31 : memref<!tpu.dma_semaphore, #tpu.memory_space<semaphore_mem>>) src(%dma_wait3A_153 : memref<1000000xf32, #tpu.memory_space<vmem_shared>>) dst(%dma_wait3A_149 : memref<128xf32, #tpu.memory_space<vmem>>)
      %dma_wait3A_154 = arith.constant 384 : i32
      %dma_wait3A_155 = tpu.memref_slice %arg20[%dma_wait3A_154] : memref<1024xf32, #tpu.memory_space<vmem>> -> memref<128xf32, #tpu.memory_space<vmem>>
      %dma_wait3A_156 = arith.constant 384 : i32
      %dma_wait3A_157 = tpu.memref_slice %arg16[%dma_wait3A_156] : memref<1024xi32, #tpu.memory_space<vmem>> -> memref<128xi32, #tpu.memory_space<vmem>>
      %dma_wait3A_158 = arith.constant 0 : i32
      %dma_wait3A_159 = tpu.memref_slice %arg29[%dma_wait3A_158] : memref<1000000xf32, #tpu.memory_space<vmem_shared>> -> memref<1000000xf32, #tpu.memory_space<vmem_shared>>
      tpu.wait_indirect_dma semaphore(%arg31 : memref<!tpu.dma_semaphore, #tpu.memory_space<semaphore_mem>>) src(%dma_wait3A_159 : memref<1000000xf32, #tpu.memory_space<vmem_shared>>) dst(%dma_wait3A_155 : memref<128xf32, #tpu.memory_space<vmem>>)
      %dma_wait3A_160 = arith.constant 512 : i32
      %dma_wait3A_161 = tpu.memref_slice %arg20[%dma_wait3A_160] : memref<1024xf32, #tpu.memory_space<vmem>> -> memref<128xf32, #tpu.memory_space<vmem>>
      %dma_wait3A_162 = arith.constant 512 : i32
      %dma_wait3A_163 = tpu.memref_slice %arg16[%dma_wait3A_162] : memref<1024xi32, #tpu.memory_space<vmem>> -> memref<128xi32, #tpu.memory_space<vmem>>
      %dma_wait3A_164 = arith.constant 0 : i32
      %dma_wait3A_165 = tpu.memref_slice %arg29[%dma_wait3A_164] : memref<1000000xf32, #tpu.memory_space<vmem_shared>> -> memref<1000000xf32, #tpu.memory_space<vmem_shared>>
      tpu.wait_indirect_dma semaphore(%arg31 : memref<!tpu.dma_semaphore, #tpu.memory_space<semaphore_mem>>) src(%dma_wait3A_165 : memref<1000000xf32, #tpu.memory_space<vmem_shared>>) dst(%dma_wait3A_161 : memref<128xf32, #tpu.memory_space<vmem>>)
      %dma_wait3A_166 = arith.constant 640 : i32
      %dma_wait3A_167 = tpu.memref_slice %arg20[%dma_wait3A_166] : memref<1024xf32, #tpu.memory_space<vmem>> -> memref<128xf32, #tpu.memory_space<vmem>>
      %dma_wait3A_168 = arith.constant 640 : i32
      %dma_wait3A_169 = tpu.memref_slice %arg16[%dma_wait3A_168] : memref<1024xi32, #tpu.memory_space<vmem>> -> memref<128xi32, #tpu.memory_space<vmem>>
      %dma_wait3A_170 = arith.constant 0 : i32
      %dma_wait3A_171 = tpu.memref_slice %arg29[%dma_wait3A_170] : memref<1000000xf32, #tpu.memory_space<vmem_shared>> -> memref<1000000xf32, #tpu.memory_space<vmem_shared>>
      tpu.wait_indirect_dma semaphore(%arg31 : memref<!tpu.dma_semaphore, #tpu.memory_space<semaphore_mem>>) src(%dma_wait3A_171 : memref<1000000xf32, #tpu.memory_space<vmem_shared>>) dst(%dma_wait3A_167 : memref<128xf32, #tpu.memory_space<vmem>>)
      %dma_wait3A_172 = arith.constant 768 : i32
      %dma_wait3A_173 = tpu.memref_slice %arg20[%dma_wait3A_172] : memref<1024xf32, #tpu.memory_space<vmem>> -> memref<128xf32, #tpu.memory_space<vmem>>
      %dma_wait3A_174 = arith.constant 768 : i32
      %dma_wait3A_175 = tpu.memref_slice %arg16[%dma_wait3A_174] : memref<1024xi32, #tpu.memory_space<vmem>> -> memref<128xi32, #tpu.memory_space<vmem>>
      %dma_wait3A_176 = arith.constant 0 : i32
      %dma_wait3A_177 = tpu.memref_slice %arg29[%dma_wait3A_176] : memref<1000000xf32, #tpu.memory_space<vmem_shared>> -> memref<1000000xf32, #tpu.memory_space<vmem_shared>>
      tpu.wait_indirect_dma semaphore(%arg31 : memref<!tpu.dma_semaphore, #tpu.memory_space<semaphore_mem>>) src(%dma_wait3A_177 : memref<1000000xf32, #tpu.memory_space<vmem_shared>>) dst(%dma_wait3A_173 : memref<128xf32, #tpu.memory_space<vmem>>)
      %dma_wait3A_178 = arith.constant 896 : i32
      %dma_wait3A_179 = tpu.memref_slice %arg20[%dma_wait3A_178] : memref<1024xf32, #tpu.memory_space<vmem>> -> memref<128xf32, #tpu.memory_space<vmem>>
      %dma_wait3A_180 = arith.constant 896 : i32
      %dma_wait3A_181 = tpu.memref_slice %arg16[%dma_wait3A_180] : memref<1024xi32, #tpu.memory_space<vmem>> -> memref<128xi32, #tpu.memory_space<vmem>>
      %dma_wait3A_182 = arith.constant 0 : i32
      %dma_wait3A_183 = tpu.memref_slice %arg29[%dma_wait3A_182] : memref<1000000xf32, #tpu.memory_space<vmem_shared>> -> memref<1000000xf32, #tpu.memory_space<vmem_shared>>
      tpu.wait_indirect_dma semaphore(%arg31 : memref<!tpu.dma_semaphore, #tpu.memory_space<semaphore_mem>>) src(%dma_wait3A_183 : memref<1000000xf32, #tpu.memory_space<vmem_shared>>) dst(%dma_wait3A_179 : memref<128xf32, #tpu.memory_space<vmem>>)
      %dma_wait3A_184 = arith.constant 0 : i32
      %dma_wait3A_185 = tpu.memref_slice %arg22[%dma_wait3A_184] : memref<1024xf32, #tpu.memory_space<vmem>> -> memref<128xf32, #tpu.memory_space<vmem>>
      %dma_wait3A_186 = arith.constant 0 : i32
      %dma_wait3A_187 = tpu.memref_slice %arg17[%dma_wait3A_186] : memref<1024xi32, #tpu.memory_space<vmem>> -> memref<128xi32, #tpu.memory_space<vmem>>
      %dma_wait3A_188 = arith.constant 0 : i32
      %dma_wait3A_189 = tpu.memref_slice %arg29[%dma_wait3A_188] : memref<1000000xf32, #tpu.memory_space<vmem_shared>> -> memref<1000000xf32, #tpu.memory_space<vmem_shared>>
      tpu.wait_indirect_dma semaphore(%arg31 : memref<!tpu.dma_semaphore, #tpu.memory_space<semaphore_mem>>) src(%dma_wait3A_189 : memref<1000000xf32, #tpu.memory_space<vmem_shared>>) dst(%dma_wait3A_185 : memref<128xf32, #tpu.memory_space<vmem>>)
      %dma_wait3A_190 = arith.constant 128 : i32
      %dma_wait3A_191 = tpu.memref_slice %arg22[%dma_wait3A_190] : memref<1024xf32, #tpu.memory_space<vmem>> -> memref<128xf32, #tpu.memory_space<vmem>>
      %dma_wait3A_192 = arith.constant 128 : i32
      %dma_wait3A_193 = tpu.memref_slice %arg17[%dma_wait3A_192] : memref<1024xi32, #tpu.memory_space<vmem>> -> memref<128xi32, #tpu.memory_space<vmem>>
      %dma_wait3A_194 = arith.constant 0 : i32
      %dma_wait3A_195 = tpu.memref_slice %arg29[%dma_wait3A_194] : memref<1000000xf32, #tpu.memory_space<vmem_shared>> -> memref<1000000xf32, #tpu.memory_space<vmem_shared>>
      tpu.wait_indirect_dma semaphore(%arg31 : memref<!tpu.dma_semaphore, #tpu.memory_space<semaphore_mem>>) src(%dma_wait3A_195 : memref<1000000xf32, #tpu.memory_space<vmem_shared>>) dst(%dma_wait3A_191 : memref<128xf32, #tpu.memory_space<vmem>>)
      %dma_wait3A_196 = arith.constant 256 : i32
      %dma_wait3A_197 = tpu.memref_slice %arg22[%dma_wait3A_196] : memref<1024xf32, #tpu.memory_space<vmem>> -> memref<128xf32, #tpu.memory_space<vmem>>
      %dma_wait3A_198 = arith.constant 256 : i32
      %dma_wait3A_199 = tpu.memref_slice %arg17[%dma_wait3A_198] : memref<1024xi32, #tpu.memory_space<vmem>> -> memref<128xi32, #tpu.memory_space<vmem>>
      %dma_wait3A_200 = arith.constant 0 : i32
      %dma_wait3A_201 = tpu.memref_slice %arg29[%dma_wait3A_200] : memref<1000000xf32, #tpu.memory_space<vmem_shared>> -> memref<1000000xf32, #tpu.memory_space<vmem_shared>>
      tpu.wait_indirect_dma semaphore(%arg31 : memref<!tpu.dma_semaphore, #tpu.memory_space<semaphore_mem>>) src(%dma_wait3A_201 : memref<1000000xf32, #tpu.memory_space<vmem_shared>>) dst(%dma_wait3A_197 : memref<128xf32, #tpu.memory_space<vmem>>)
      %dma_wait3A_202 = arith.constant 384 : i32
      %dma_wait3A_203 = tpu.memref_slice %arg22[%dma_wait3A_202] : memref<1024xf32, #tpu.memory_space<vmem>> -> memref<128xf32, #tpu.memory_space<vmem>>
      %dma_wait3A_204 = arith.constant 384 : i32
      %dma_wait3A_205 = tpu.memref_slice %arg17[%dma_wait3A_204] : memref<1024xi32, #tpu.memory_space<vmem>> -> memref<128xi32, #tpu.memory_space<vmem>>
      %dma_wait3A_206 = arith.constant 0 : i32
      %dma_wait3A_207 = tpu.memref_slice %arg29[%dma_wait3A_206] : memref<1000000xf32, #tpu.memory_space<vmem_shared>> -> memref<1000000xf32, #tpu.memory_space<vmem_shared>>
      tpu.wait_indirect_dma semaphore(%arg31 : memref<!tpu.dma_semaphore, #tpu.memory_space<semaphore_mem>>) src(%dma_wait3A_207 : memref<1000000xf32, #tpu.memory_space<vmem_shared>>) dst(%dma_wait3A_203 : memref<128xf32, #tpu.memory_space<vmem>>)
      %dma_wait3A_208 = arith.constant 512 : i32
      %dma_wait3A_209 = tpu.memref_slice %arg22[%dma_wait3A_208] : memref<1024xf32, #tpu.memory_space<vmem>> -> memref<128xf32, #tpu.memory_space<vmem>>
      %dma_wait3A_210 = arith.constant 512 : i32
      %dma_wait3A_211 = tpu.memref_slice %arg17[%dma_wait3A_210] : memref<1024xi32, #tpu.memory_space<vmem>> -> memref<128xi32, #tpu.memory_space<vmem>>
      %dma_wait3A_212 = arith.constant 0 : i32
      %dma_wait3A_213 = tpu.memref_slice %arg29[%dma_wait3A_212] : memref<1000000xf32, #tpu.memory_space<vmem_shared>> -> memref<1000000xf32, #tpu.memory_space<vmem_shared>>
      tpu.wait_indirect_dma semaphore(%arg31 : memref<!tpu.dma_semaphore, #tpu.memory_space<semaphore_mem>>) src(%dma_wait3A_213 : memref<1000000xf32, #tpu.memory_space<vmem_shared>>) dst(%dma_wait3A_209 : memref<128xf32, #tpu.memory_space<vmem>>)
      %dma_wait3A_214 = arith.constant 640 : i32
      %dma_wait3A_215 = tpu.memref_slice %arg22[%dma_wait3A_214] : memref<1024xf32, #tpu.memory_space<vmem>> -> memref<128xf32, #tpu.memory_space<vmem>>
      %dma_wait3A_216 = arith.constant 640 : i32
      %dma_wait3A_217 = tpu.memref_slice %arg17[%dma_wait3A_216] : memref<1024xi32, #tpu.memory_space<vmem>> -> memref<128xi32, #tpu.memory_space<vmem>>
      %dma_wait3A_218 = arith.constant 0 : i32
      %dma_wait3A_219 = tpu.memref_slice %arg29[%dma_wait3A_218] : memref<1000000xf32, #tpu.memory_space<vmem_shared>> -> memref<1000000xf32, #tpu.memory_space<vmem_shared>>
      tpu.wait_indirect_dma semaphore(%arg31 : memref<!tpu.dma_semaphore, #tpu.memory_space<semaphore_mem>>) src(%dma_wait3A_219 : memref<1000000xf32, #tpu.memory_space<vmem_shared>>) dst(%dma_wait3A_215 : memref<128xf32, #tpu.memory_space<vmem>>)
      %dma_wait3A_220 = arith.constant 768 : i32
      %dma_wait3A_221 = tpu.memref_slice %arg22[%dma_wait3A_220] : memref<1024xf32, #tpu.memory_space<vmem>> -> memref<128xf32, #tpu.memory_space<vmem>>
      %dma_wait3A_222 = arith.constant 768 : i32
      %dma_wait3A_223 = tpu.memref_slice %arg17[%dma_wait3A_222] : memref<1024xi32, #tpu.memory_space<vmem>> -> memref<128xi32, #tpu.memory_space<vmem>>
      %dma_wait3A_224 = arith.constant 0 : i32
      %dma_wait3A_225 = tpu.memref_slice %arg29[%dma_wait3A_224] : memref<1000000xf32, #tpu.memory_space<vmem_shared>> -> memref<1000000xf32, #tpu.memory_space<vmem_shared>>
      tpu.wait_indirect_dma semaphore(%arg31 : memref<!tpu.dma_semaphore, #tpu.memory_space<semaphore_mem>>) src(%dma_wait3A_225 : memref<1000000xf32, #tpu.memory_space<vmem_shared>>) dst(%dma_wait3A_221 : memref<128xf32, #tpu.memory_space<vmem>>)
      %dma_wait3A_226 = arith.constant 896 : i32
      %dma_wait3A_227 = tpu.memref_slice %arg22[%dma_wait3A_226] : memref<1024xf32, #tpu.memory_space<vmem>> -> memref<128xf32, #tpu.memory_space<vmem>>
      %dma_wait3A_228 = arith.constant 896 : i32
      %dma_wait3A_229 = tpu.memref_slice %arg17[%dma_wait3A_228] : memref<1024xi32, #tpu.memory_space<vmem>> -> memref<128xi32, #tpu.memory_space<vmem>>
      %dma_wait3A_230 = arith.constant 0 : i32
      %dma_wait3A_231 = tpu.memref_slice %arg29[%dma_wait3A_230] : memref<1000000xf32, #tpu.memory_space<vmem_shared>> -> memref<1000000xf32, #tpu.memory_space<vmem_shared>>
      tpu.wait_indirect_dma semaphore(%arg31 : memref<!tpu.dma_semaphore, #tpu.memory_space<semaphore_mem>>) src(%dma_wait3A_231 : memref<1000000xf32, #tpu.memory_space<vmem_shared>>) dst(%dma_wait3A_227 : memref<128xf32, #tpu.memory_space<vmem>>)
      %barrier3A_232 = arith.constant 0 : index
      tpu.barrier barrier_id(%barrier3A_232)
      %mul3A_233 = arith.constant 62464 : i32
      %mul3A_234 = arith.muli %arg1, %mul3A_233 : i32
      %multiple_of3A_235 = tpu.assume_multiple %mul3A_234, 128 : i32
      %dma_start3A_236 = tpu.memref_slice %arg29[%multiple_of3A_235] : memref<1000000xf32, #tpu.memory_space<vmem_shared>> -> memref<62464xf32, #tpu.memory_space<vmem_shared>>
      %dma_start3A_237 = tpu.memref_slice %arg7[%add3A, %multiple_of3A_235] : memref<64x1000000xf32, #tpu.memory_space<hbm>> -> memref<1x62464xf32, #tpu.memory_space<hbm>>
      %dma_start3A_238 = tpu.memref_squeeze %dma_start3A_237 : memref<1x62464xf32, #tpu.memory_space<hbm>> -> memref<62464xf32, #tpu.memory_space<hbm>>
      tpu.enqueue_dma source(%dma_start3A_238 : memref<62464xf32, #tpu.memory_space<hbm>>) target(%dma_start3A_236 : memref<62464xf32, #tpu.memory_space<vmem_shared>>) target_semaphore(%arg30 : memref<!tpu.dma_semaphore, #tpu.memory_space<semaphore_mem>>)
      %eq3A_239 = arith.constant 15 : i32
      %eq3A_240 = arith.cmpi eq, %arg1, %eq3A_239 : i32
      %convert_element_type3A_241 = arith.extui %eq3A_240 : i1 to i32
      %cond3A_242 = arith.constant 0 : i32
      %cond3A_243 = arith.cmpi ne, %convert_element_type3A_241, %cond3A_242 : i32
      scf.if %cond3A_243 {
        %mul3A_673 = arith.constant 576 : i32
        %mul3A_674 = arith.muli %add3A, %mul3A_673 : i32
        "tpu.region"() ({
          %run_scoped3A = tpu.sem_alloc : memref<!tpu.dma_semaphore, #tpu.memory_space<semaphore_mem>>
          %dma_start3A_675 = tpu.memref_slice %arg11[%mul3A_674] : memref<36864xf32, #tpu.memory_space<hbm>> -> memref<576xf32, #tpu.memory_space<hbm>>
          %dma_start3A_676 = tpu.memref_slice %arg11[%mul3A_674] : memref<36864xf32, #tpu.memory_space<hbm>> -> memref<576xf32, #tpu.memory_space<hbm>>
          tpu.enqueue_dma source(%dma_start3A_676 : memref<576xf32, #tpu.memory_space<hbm>>) target(%arg28 : memref<576xf32, #tpu.memory_space<vmem>>) target_semaphore(%run_scoped3A : memref<!tpu.dma_semaphore, #tpu.memory_space<semaphore_mem>>)
          %dma_wait3A_677 = tpu.memref_slice %arg11[%mul3A_674] : memref<36864xf32, #tpu.memory_space<hbm>> -> memref<576xf32, #tpu.memory_space<hbm>>
          %dma_wait3A_678 = tpu.memref_slice %arg11[%mul3A_674] : memref<36864xf32, #tpu.memory_space<hbm>> -> memref<576xf32, #tpu.memory_space<hbm>>
          tpu.wait_dma2 semaphore(%run_scoped3A : memref<!tpu.dma_semaphore, #tpu.memory_space<semaphore_mem>>) src(%dma_wait3A_678 : memref<576xf32, #tpu.memory_space<hbm>>) dst(%arg28 : memref<576xf32, #tpu.memory_space<vmem>>)
          tpu.yield
        }) : () -> ()
        "tpu.region"() ({
          %run_scoped3A = tpu.sem_alloc : memref<!tpu.dma_semaphore, #tpu.memory_space<semaphore_mem>>
          %dma_start3A_675 = arith.constant 999424 : i32
          %dma_start3A_676 = tpu.memref_slice %arg29[%dma_start3A_675] : memref<1000000xf32, #tpu.memory_space<vmem_shared>> -> memref<576xf32, #tpu.memory_space<vmem_shared>>
          %dma_start3A_677 = arith.constant 999424 : i32
          %dma_start3A_678 = tpu.memref_slice %arg29[%dma_start3A_677] : memref<1000000xf32, #tpu.memory_space<vmem_shared>> -> memref<576xf32, #tpu.memory_space<vmem_shared>>
          tpu.enqueue_dma source(%arg28 : memref<576xf32, #tpu.memory_space<vmem>>) target(%dma_start3A_678 : memref<576xf32, #tpu.memory_space<vmem_shared>>) target_semaphore(%run_scoped3A : memref<!tpu.dma_semaphore, #tpu.memory_space<semaphore_mem>>)
          %dma_wait3A_679 = arith.constant 999424 : i32
          %dma_wait3A_680 = tpu.memref_slice %arg29[%dma_wait3A_679] : memref<1000000xf32, #tpu.memory_space<vmem_shared>> -> memref<576xf32, #tpu.memory_space<vmem_shared>>
          %dma_wait3A_681 = arith.constant 999424 : i32
          %dma_wait3A_682 = tpu.memref_slice %arg29[%dma_wait3A_681] : memref<1000000xf32, #tpu.memory_space<vmem_shared>> -> memref<576xf32, #tpu.memory_space<vmem_shared>>
          tpu.wait_dma2 semaphore(%run_scoped3A : memref<!tpu.dma_semaphore, #tpu.memory_space<semaphore_mem>>) src(%arg28 : memref<576xf32, #tpu.memory_space<vmem>>) dst(%dma_wait3A_682 : memref<576xf32, #tpu.memory_space<vmem_shared>>)
          tpu.yield
        }) : () -> ()
      } else {
      }
      %dma_wait3A_244 = tpu.memref_slice %arg29[%multiple_of3A_235] : memref<1000000xf32, #tpu.memory_space<vmem_shared>> -> memref<62464xf32, #tpu.memory_space<vmem_shared>>
      %dma_wait3A_245 = tpu.memref_slice %arg7[%add3A, %multiple_of3A_235] : memref<64x1000000xf32, #tpu.memory_space<hbm>> -> memref<1x62464xf32, #tpu.memory_space<hbm>>
      %dma_wait3A_246 = tpu.memref_squeeze %dma_wait3A_245 : memref<1x62464xf32, #tpu.memory_space<hbm>> -> memref<62464xf32, #tpu.memory_space<hbm>>
      tpu.wait_dma2 semaphore(%arg30 : memref<!tpu.dma_semaphore, #tpu.memory_space<semaphore_mem>>) src(%dma_wait3A_246 : memref<62464xf32, #tpu.memory_space<hbm>>) dst(%dma_wait3A_244 : memref<62464xf32, #tpu.memory_space<vmem_shared>>)
      %barrier3A_247 = arith.constant 0 : index
      tpu.barrier barrier_id(%barrier3A_247)
      %dma_start3A_248 = arith.constant 0 : i32
      %dma_start3A_249 = tpu.memref_slice %arg21[%dma_start3A_248] : memref<1024xf32, #tpu.memory_space<vmem>> -> memref<128xf32, #tpu.memory_space<vmem>>
      %dma_start3A_250 = arith.constant 0 : i32
      %dma_start3A_251 = tpu.memref_slice %arg16[%dma_start3A_250] : memref<1024xi32, #tpu.memory_space<vmem>> -> memref<128xi32, #tpu.memory_space<vmem>>
      %dma_start3A_252 = arith.constant 0 : i32
      %dma_start3A_253 = tpu.memref_slice %arg29[%dma_start3A_252] : memref<1000000xf32, #tpu.memory_space<vmem_shared>> -> memref<1000000xf32, #tpu.memory_space<vmem_shared>>
      tpu.enqueue_indirect_dma source(%dma_start3A_253 : memref<1000000xf32, #tpu.memory_space<vmem_shared>>) target(%dma_start3A_249 : memref<128xf32, #tpu.memory_space<vmem>>) offsets(%dma_start3A_251 : memref<128xi32, #tpu.memory_space<vmem>>) semaphore(%arg31 : memref<!tpu.dma_semaphore, #tpu.memory_space<semaphore_mem>>)
      %dma_start3A_254 = arith.constant 128 : i32
      %dma_start3A_255 = tpu.memref_slice %arg21[%dma_start3A_254] : memref<1024xf32, #tpu.memory_space<vmem>> -> memref<128xf32, #tpu.memory_space<vmem>>
      %dma_start3A_256 = arith.constant 128 : i32
      %dma_start3A_257 = tpu.memref_slice %arg16[%dma_start3A_256] : memref<1024xi32, #tpu.memory_space<vmem>> -> memref<128xi32, #tpu.memory_space<vmem>>
      %dma_start3A_258 = arith.constant 0 : i32
      %dma_start3A_259 = tpu.memref_slice %arg29[%dma_start3A_258] : memref<1000000xf32, #tpu.memory_space<vmem_shared>> -> memref<1000000xf32, #tpu.memory_space<vmem_shared>>
      tpu.enqueue_indirect_dma source(%dma_start3A_259 : memref<1000000xf32, #tpu.memory_space<vmem_shared>>) target(%dma_start3A_255 : memref<128xf32, #tpu.memory_space<vmem>>) offsets(%dma_start3A_257 : memref<128xi32, #tpu.memory_space<vmem>>) semaphore(%arg31 : memref<!tpu.dma_semaphore, #tpu.memory_space<semaphore_mem>>)
      %dma_start3A_260 = arith.constant 256 : i32
      %dma_start3A_261 = tpu.memref_slice %arg21[%dma_start3A_260] : memref<1024xf32, #tpu.memory_space<vmem>> -> memref<128xf32, #tpu.memory_space<vmem>>
      %dma_start3A_262 = arith.constant 256 : i32
      %dma_start3A_263 = tpu.memref_slice %arg16[%dma_start3A_262] : memref<1024xi32, #tpu.memory_space<vmem>> -> memref<128xi32, #tpu.memory_space<vmem>>
      %dma_start3A_264 = arith.constant 0 : i32
      %dma_start3A_265 = tpu.memref_slice %arg29[%dma_start3A_264] : memref<1000000xf32, #tpu.memory_space<vmem_shared>> -> memref<1000000xf32, #tpu.memory_space<vmem_shared>>
      tpu.enqueue_indirect_dma source(%dma_start3A_265 : memref<1000000xf32, #tpu.memory_space<vmem_shared>>) target(%dma_start3A_261 : memref<128xf32, #tpu.memory_space<vmem>>) offsets(%dma_start3A_263 : memref<128xi32, #tpu.memory_space<vmem>>) semaphore(%arg31 : memref<!tpu.dma_semaphore, #tpu.memory_space<semaphore_mem>>)
      %dma_start3A_266 = arith.constant 384 : i32
      %dma_start3A_267 = tpu.memref_slice %arg21[%dma_start3A_266] : memref<1024xf32, #tpu.memory_space<vmem>> -> memref<128xf32, #tpu.memory_space<vmem>>
      %dma_start3A_268 = arith.constant 384 : i32
      %dma_start3A_269 = tpu.memref_slice %arg16[%dma_start3A_268] : memref<1024xi32, #tpu.memory_space<vmem>> -> memref<128xi32, #tpu.memory_space<vmem>>
      %dma_start3A_270 = arith.constant 0 : i32
      %dma_start3A_271 = tpu.memref_slice %arg29[%dma_start3A_270] : memref<1000000xf32, #tpu.memory_space<vmem_shared>> -> memref<1000000xf32, #tpu.memory_space<vmem_shared>>
      tpu.enqueue_indirect_dma source(%dma_start3A_271 : memref<1000000xf32, #tpu.memory_space<vmem_shared>>) target(%dma_start3A_267 : memref<128xf32, #tpu.memory_space<vmem>>) offsets(%dma_start3A_269 : memref<128xi32, #tpu.memory_space<vmem>>) semaphore(%arg31 : memref<!tpu.dma_semaphore, #tpu.memory_space<semaphore_mem>>)
      %dma_start3A_272 = arith.constant 512 : i32
      %dma_start3A_273 = tpu.memref_slice %arg21[%dma_start3A_272] : memref<1024xf32, #tpu.memory_space<vmem>> -> memref<128xf32, #tpu.memory_space<vmem>>
      %dma_start3A_274 = arith.constant 512 : i32
      %dma_start3A_275 = tpu.memref_slice %arg16[%dma_start3A_274] : memref<1024xi32, #tpu.memory_space<vmem>> -> memref<128xi32, #tpu.memory_space<vmem>>
      %dma_start3A_276 = arith.constant 0 : i32
      %dma_start3A_277 = tpu.memref_slice %arg29[%dma_start3A_276] : memref<1000000xf32, #tpu.memory_space<vmem_shared>> -> memref<1000000xf32, #tpu.memory_space<vmem_shared>>
      tpu.enqueue_indirect_dma source(%dma_start3A_277 : memref<1000000xf32, #tpu.memory_space<vmem_shared>>) target(%dma_start3A_273 : memref<128xf32, #tpu.memory_space<vmem>>) offsets(%dma_start3A_275 : memref<128xi32, #tpu.memory_space<vmem>>) semaphore(%arg31 : memref<!tpu.dma_semaphore, #tpu.memory_space<semaphore_mem>>)
      %dma_start3A_278 = arith.constant 640 : i32
      %dma_start3A_279 = tpu.memref_slice %arg21[%dma_start3A_278] : memref<1024xf32, #tpu.memory_space<vmem>> -> memref<128xf32, #tpu.memory_space<vmem>>
      %dma_start3A_280 = arith.constant 640 : i32
      %dma_start3A_281 = tpu.memref_slice %arg16[%dma_start3A_280] : memref<1024xi32, #tpu.memory_space<vmem>> -> memref<128xi32, #tpu.memory_space<vmem>>
      %dma_start3A_282 = arith.constant 0 : i32
      %dma_start3A_283 = tpu.memref_slice %arg29[%dma_start3A_282] : memref<1000000xf32, #tpu.memory_space<vmem_shared>> -> memref<1000000xf32, #tpu.memory_space<vmem_shared>>
      tpu.enqueue_indirect_dma source(%dma_start3A_283 : memref<1000000xf32, #tpu.memory_space<vmem_shared>>) target(%dma_start3A_279 : memref<128xf32, #tpu.memory_space<vmem>>) offsets(%dma_start3A_281 : memref<128xi32, #tpu.memory_space<vmem>>) semaphore(%arg31 : memref<!tpu.dma_semaphore, #tpu.memory_space<semaphore_mem>>)
      %dma_start3A_284 = arith.constant 768 : i32
      %dma_start3A_285 = tpu.memref_slice %arg21[%dma_start3A_284] : memref<1024xf32, #tpu.memory_space<vmem>> -> memref<128xf32, #tpu.memory_space<vmem>>
      %dma_start3A_286 = arith.constant 768 : i32
      %dma_start3A_287 = tpu.memref_slice %arg16[%dma_start3A_286] : memref<1024xi32, #tpu.memory_space<vmem>> -> memref<128xi32, #tpu.memory_space<vmem>>
      %dma_start3A_288 = arith.constant 0 : i32
      %dma_start3A_289 = tpu.memref_slice %arg29[%dma_start3A_288] : memref<1000000xf32, #tpu.memory_space<vmem_shared>> -> memref<1000000xf32, #tpu.memory_space<vmem_shared>>
      tpu.enqueue_indirect_dma source(%dma_start3A_289 : memref<1000000xf32, #tpu.memory_space<vmem_shared>>) target(%dma_start3A_285 : memref<128xf32, #tpu.memory_space<vmem>>) offsets(%dma_start3A_287 : memref<128xi32, #tpu.memory_space<vmem>>) semaphore(%arg31 : memref<!tpu.dma_semaphore, #tpu.memory_space<semaphore_mem>>)
      %dma_start3A_290 = arith.constant 896 : i32
      %dma_start3A_291 = tpu.memref_slice %arg21[%dma_start3A_290] : memref<1024xf32, #tpu.memory_space<vmem>> -> memref<128xf32, #tpu.memory_space<vmem>>
      %dma_start3A_292 = arith.constant 896 : i32
      %dma_start3A_293 = tpu.memref_slice %arg16[%dma_start3A_292] : memref<1024xi32, #tpu.memory_space<vmem>> -> memref<128xi32, #tpu.memory_space<vmem>>
      %dma_start3A_294 = arith.constant 0 : i32
      %dma_start3A_295 = tpu.memref_slice %arg29[%dma_start3A_294] : memref<1000000xf32, #tpu.memory_space<vmem_shared>> -> memref<1000000xf32, #tpu.memory_space<vmem_shared>>
      tpu.enqueue_indirect_dma source(%dma_start3A_295 : memref<1000000xf32, #tpu.memory_space<vmem_shared>>) target(%dma_start3A_291 : memref<128xf32, #tpu.memory_space<vmem>>) offsets(%dma_start3A_293 : memref<128xi32, #tpu.memory_space<vmem>>) semaphore(%arg31 : memref<!tpu.dma_semaphore, #tpu.memory_space<semaphore_mem>>)
      %dma_start3A_296 = arith.constant 0 : i32
      %dma_start3A_297 = tpu.memref_slice %arg23[%dma_start3A_296] : memref<1024xf32, #tpu.memory_space<vmem>> -> memref<128xf32, #tpu.memory_space<vmem>>
      %dma_start3A_298 = arith.constant 0 : i32
      %dma_start3A_299 = tpu.memref_slice %arg17[%dma_start3A_298] : memref<1024xi32, #tpu.memory_space<vmem>> -> memref<128xi32, #tpu.memory_space<vmem>>
      %dma_start3A_300 = arith.constant 0 : i32
      %dma_start3A_301 = tpu.memref_slice %arg29[%dma_start3A_300] : memref<1000000xf32, #tpu.memory_space<vmem_shared>> -> memref<1000000xf32, #tpu.memory_space<vmem_shared>>
      tpu.enqueue_indirect_dma source(%dma_start3A_301 : memref<1000000xf32, #tpu.memory_space<vmem_shared>>) target(%dma_start3A_297 : memref<128xf32, #tpu.memory_space<vmem>>) offsets(%dma_start3A_299 : memref<128xi32, #tpu.memory_space<vmem>>) semaphore(%arg31 : memref<!tpu.dma_semaphore, #tpu.memory_space<semaphore_mem>>)
      %dma_start3A_302 = arith.constant 128 : i32
      %dma_start3A_303 = tpu.memref_slice %arg23[%dma_start3A_302] : memref<1024xf32, #tpu.memory_space<vmem>> -> memref<128xf32, #tpu.memory_space<vmem>>
      %dma_start3A_304 = arith.constant 128 : i32
      %dma_start3A_305 = tpu.memref_slice %arg17[%dma_start3A_304] : memref<1024xi32, #tpu.memory_space<vmem>> -> memref<128xi32, #tpu.memory_space<vmem>>
      %dma_start3A_306 = arith.constant 0 : i32
      %dma_start3A_307 = tpu.memref_slice %arg29[%dma_start3A_306] : memref<1000000xf32, #tpu.memory_space<vmem_shared>> -> memref<1000000xf32, #tpu.memory_space<vmem_shared>>
      tpu.enqueue_indirect_dma source(%dma_start3A_307 : memref<1000000xf32, #tpu.memory_space<vmem_shared>>) target(%dma_start3A_303 : memref<128xf32, #tpu.memory_space<vmem>>) offsets(%dma_start3A_305 : memref<128xi32, #tpu.memory_space<vmem>>) semaphore(%arg31 : memref<!tpu.dma_semaphore, #tpu.memory_space<semaphore_mem>>)
      %dma_start3A_308 = arith.constant 256 : i32
      %dma_start3A_309 = tpu.memref_slice %arg23[%dma_start3A_308] : memref<1024xf32, #tpu.memory_space<vmem>> -> memref<128xf32, #tpu.memory_space<vmem>>
      %dma_start3A_310 = arith.constant 256 : i32
      %dma_start3A_311 = tpu.memref_slice %arg17[%dma_start3A_310] : memref<1024xi32, #tpu.memory_space<vmem>> -> memref<128xi32, #tpu.memory_space<vmem>>
      %dma_start3A_312 = arith.constant 0 : i32
      %dma_start3A_313 = tpu.memref_slice %arg29[%dma_start3A_312] : memref<1000000xf32, #tpu.memory_space<vmem_shared>> -> memref<1000000xf32, #tpu.memory_space<vmem_shared>>
      tpu.enqueue_indirect_dma source(%dma_start3A_313 : memref<1000000xf32, #tpu.memory_space<vmem_shared>>) target(%dma_start3A_309 : memref<128xf32, #tpu.memory_space<vmem>>) offsets(%dma_start3A_311 : memref<128xi32, #tpu.memory_space<vmem>>) semaphore(%arg31 : memref<!tpu.dma_semaphore, #tpu.memory_space<semaphore_mem>>)
      %dma_start3A_314 = arith.constant 384 : i32
      %dma_start3A_315 = tpu.memref_slice %arg23[%dma_start3A_314] : memref<1024xf32, #tpu.memory_space<vmem>> -> memref<128xf32, #tpu.memory_space<vmem>>
      %dma_start3A_316 = arith.constant 384 : i32
      %dma_start3A_317 = tpu.memref_slice %arg17[%dma_start3A_316] : memref<1024xi32, #tpu.memory_space<vmem>> -> memref<128xi32, #tpu.memory_space<vmem>>
      %dma_start3A_318 = arith.constant 0 : i32
      %dma_start3A_319 = tpu.memref_slice %arg29[%dma_start3A_318] : memref<1000000xf32, #tpu.memory_space<vmem_shared>> -> memref<1000000xf32, #tpu.memory_space<vmem_shared>>
      tpu.enqueue_indirect_dma source(%dma_start3A_319 : memref<1000000xf32, #tpu.memory_space<vmem_shared>>) target(%dma_start3A_315 : memref<128xf32, #tpu.memory_space<vmem>>) offsets(%dma_start3A_317 : memref<128xi32, #tpu.memory_space<vmem>>) semaphore(%arg31 : memref<!tpu.dma_semaphore, #tpu.memory_space<semaphore_mem>>)
      %dma_start3A_320 = arith.constant 512 : i32
      %dma_start3A_321 = tpu.memref_slice %arg23[%dma_start3A_320] : memref<1024xf32, #tpu.memory_space<vmem>> -> memref<128xf32, #tpu.memory_space<vmem>>
      %dma_start3A_322 = arith.constant 512 : i32
      %dma_start3A_323 = tpu.memref_slice %arg17[%dma_start3A_322] : memref<1024xi32, #tpu.memory_space<vmem>> -> memref<128xi32, #tpu.memory_space<vmem>>
      %dma_start3A_324 = arith.constant 0 : i32
      %dma_start3A_325 = tpu.memref_slice %arg29[%dma_start3A_324] : memref<1000000xf32, #tpu.memory_space<vmem_shared>> -> memref<1000000xf32, #tpu.memory_space<vmem_shared>>
      tpu.enqueue_indirect_dma source(%dma_start3A_325 : memref<1000000xf32, #tpu.memory_space<vmem_shared>>) target(%dma_start3A_321 : memref<128xf32, #tpu.memory_space<vmem>>) offsets(%dma_start3A_323 : memref<128xi32, #tpu.memory_space<vmem>>) semaphore(%arg31 : memref<!tpu.dma_semaphore, #tpu.memory_space<semaphore_mem>>)
      %dma_start3A_326 = arith.constant 640 : i32
      %dma_start3A_327 = tpu.memref_slice %arg23[%dma_start3A_326] : memref<1024xf32, #tpu.memory_space<vmem>> -> memref<128xf32, #tpu.memory_space<vmem>>
      %dma_start3A_328 = arith.constant 640 : i32
      %dma_start3A_329 = tpu.memref_slice %arg17[%dma_start3A_328] : memref<1024xi32, #tpu.memory_space<vmem>> -> memref<128xi32, #tpu.memory_space<vmem>>
      %dma_start3A_330 = arith.constant 0 : i32
      %dma_start3A_331 = tpu.memref_slice %arg29[%dma_start3A_330] : memref<1000000xf32, #tpu.memory_space<vmem_shared>> -> memref<1000000xf32, #tpu.memory_space<vmem_shared>>
      tpu.enqueue_indirect_dma source(%dma_start3A_331 : memref<1000000xf32, #tpu.memory_space<vmem_shared>>) target(%dma_start3A_327 : memref<128xf32, #tpu.memory_space<vmem>>) offsets(%dma_start3A_329 : memref<128xi32, #tpu.memory_space<vmem>>) semaphore(%arg31 : memref<!tpu.dma_semaphore, #tpu.memory_space<semaphore_mem>>)
      %dma_start3A_332 = arith.constant 768 : i32
      %dma_start3A_333 = tpu.memref_slice %arg23[%dma_start3A_332] : memref<1024xf32, #tpu.memory_space<vmem>> -> memref<128xf32, #tpu.memory_space<vmem>>
      %dma_start3A_334 = arith.constant 768 : i32
      %dma_start3A_335 = tpu.memref_slice %arg17[%dma_start3A_334] : memref<1024xi32, #tpu.memory_space<vmem>> -> memref<128xi32, #tpu.memory_space<vmem>>
      %dma_start3A_336 = arith.constant 0 : i32
      %dma_start3A_337 = tpu.memref_slice %arg29[%dma_start3A_336] : memref<1000000xf32, #tpu.memory_space<vmem_shared>> -> memref<1000000xf32, #tpu.memory_space<vmem_shared>>
      tpu.enqueue_indirect_dma source(%dma_start3A_337 : memref<1000000xf32, #tpu.memory_space<vmem_shared>>) target(%dma_start3A_333 : memref<128xf32, #tpu.memory_space<vmem>>) offsets(%dma_start3A_335 : memref<128xi32, #tpu.memory_space<vmem>>) semaphore(%arg31 : memref<!tpu.dma_semaphore, #tpu.memory_space<semaphore_mem>>)
      %dma_start3A_338 = arith.constant 896 : i32
      %dma_start3A_339 = tpu.memref_slice %arg23[%dma_start3A_338] : memref<1024xf32, #tpu.memory_space<vmem>> -> memref<128xf32, #tpu.memory_space<vmem>>
      %dma_start3A_340 = arith.constant 896 : i32
      %dma_start3A_341 = tpu.memref_slice %arg17[%dma_start3A_340] : memref<1024xi32, #tpu.memory_space<vmem>> -> memref<128xi32, #tpu.memory_space<vmem>>
      %dma_start3A_342 = arith.constant 0 : i32
      %dma_start3A_343 = tpu.memref_slice %arg29[%dma_start3A_342] : memref<1000000xf32, #tpu.memory_space<vmem_shared>> -> memref<1000000xf32, #tpu.memory_space<vmem_shared>>
      tpu.enqueue_indirect_dma source(%dma_start3A_343 : memref<1000000xf32, #tpu.memory_space<vmem_shared>>) target(%dma_start3A_339 : memref<128xf32, #tpu.memory_space<vmem>>) offsets(%dma_start3A_341 : memref<128xi32, #tpu.memory_space<vmem>>) semaphore(%arg31 : memref<!tpu.dma_semaphore, #tpu.memory_space<semaphore_mem>>)
      %dma_wait3A_344 = arith.constant 0 : i32
      %dma_wait3A_345 = tpu.memref_slice %arg21[%dma_wait3A_344] : memref<1024xf32, #tpu.memory_space<vmem>> -> memref<128xf32, #tpu.memory_space<vmem>>
      %dma_wait3A_346 = arith.constant 0 : i32
      %dma_wait3A_347 = tpu.memref_slice %arg16[%dma_wait3A_346] : memref<1024xi32, #tpu.memory_space<vmem>> -> memref<128xi32, #tpu.memory_space<vmem>>
      %dma_wait3A_348 = arith.constant 0 : i32
      %dma_wait3A_349 = tpu.memref_slice %arg29[%dma_wait3A_348] : memref<1000000xf32, #tpu.memory_space<vmem_shared>> -> memref<1000000xf32, #tpu.memory_space<vmem_shared>>
      tpu.wait_indirect_dma semaphore(%arg31 : memref<!tpu.dma_semaphore, #tpu.memory_space<semaphore_mem>>) src(%dma_wait3A_349 : memref<1000000xf32, #tpu.memory_space<vmem_shared>>) dst(%dma_wait3A_345 : memref<128xf32, #tpu.memory_space<vmem>>)
      %dma_wait3A_350 = arith.constant 128 : i32
      %dma_wait3A_351 = tpu.memref_slice %arg21[%dma_wait3A_350] : memref<1024xf32, #tpu.memory_space<vmem>> -> memref<128xf32, #tpu.memory_space<vmem>>
      %dma_wait3A_352 = arith.constant 128 : i32
      %dma_wait3A_353 = tpu.memref_slice %arg16[%dma_wait3A_352] : memref<1024xi32, #tpu.memory_space<vmem>> -> memref<128xi32, #tpu.memory_space<vmem>>
      %dma_wait3A_354 = arith.constant 0 : i32
      %dma_wait3A_355 = tpu.memref_slice %arg29[%dma_wait3A_354] : memref<1000000xf32, #tpu.memory_space<vmem_shared>> -> memref<1000000xf32, #tpu.memory_space<vmem_shared>>
      tpu.wait_indirect_dma semaphore(%arg31 : memref<!tpu.dma_semaphore, #tpu.memory_space<semaphore_mem>>) src(%dma_wait3A_355 : memref<1000000xf32, #tpu.memory_space<vmem_shared>>) dst(%dma_wait3A_351 : memref<128xf32, #tpu.memory_space<vmem>>)
      %dma_wait3A_356 = arith.constant 256 : i32
      %dma_wait3A_357 = tpu.memref_slice %arg21[%dma_wait3A_356] : memref<1024xf32, #tpu.memory_space<vmem>> -> memref<128xf32, #tpu.memory_space<vmem>>
      %dma_wait3A_358 = arith.constant 256 : i32
      %dma_wait3A_359 = tpu.memref_slice %arg16[%dma_wait3A_358] : memref<1024xi32, #tpu.memory_space<vmem>> -> memref<128xi32, #tpu.memory_space<vmem>>
      %dma_wait3A_360 = arith.constant 0 : i32
      %dma_wait3A_361 = tpu.memref_slice %arg29[%dma_wait3A_360] : memref<1000000xf32, #tpu.memory_space<vmem_shared>> -> memref<1000000xf32, #tpu.memory_space<vmem_shared>>
      tpu.wait_indirect_dma semaphore(%arg31 : memref<!tpu.dma_semaphore, #tpu.memory_space<semaphore_mem>>) src(%dma_wait3A_361 : memref<1000000xf32, #tpu.memory_space<vmem_shared>>) dst(%dma_wait3A_357 : memref<128xf32, #tpu.memory_space<vmem>>)
      %dma_wait3A_362 = arith.constant 384 : i32
      %dma_wait3A_363 = tpu.memref_slice %arg21[%dma_wait3A_362] : memref<1024xf32, #tpu.memory_space<vmem>> -> memref<128xf32, #tpu.memory_space<vmem>>
      %dma_wait3A_364 = arith.constant 384 : i32
      %dma_wait3A_365 = tpu.memref_slice %arg16[%dma_wait3A_364] : memref<1024xi32, #tpu.memory_space<vmem>> -> memref<128xi32, #tpu.memory_space<vmem>>
      %dma_wait3A_366 = arith.constant 0 : i32
      %dma_wait3A_367 = tpu.memref_slice %arg29[%dma_wait3A_366] : memref<1000000xf32, #tpu.memory_space<vmem_shared>> -> memref<1000000xf32, #tpu.memory_space<vmem_shared>>
      tpu.wait_indirect_dma semaphore(%arg31 : memref<!tpu.dma_semaphore, #tpu.memory_space<semaphore_mem>>) src(%dma_wait3A_367 : memref<1000000xf32, #tpu.memory_space<vmem_shared>>) dst(%dma_wait3A_363 : memref<128xf32, #tpu.memory_space<vmem>>)
      %dma_wait3A_368 = arith.constant 512 : i32
      %dma_wait3A_369 = tpu.memref_slice %arg21[%dma_wait3A_368] : memref<1024xf32, #tpu.memory_space<vmem>> -> memref<128xf32, #tpu.memory_space<vmem>>
      %dma_wait3A_370 = arith.constant 512 : i32
      %dma_wait3A_371 = tpu.memref_slice %arg16[%dma_wait3A_370] : memref<1024xi32, #tpu.memory_space<vmem>> -> memref<128xi32, #tpu.memory_space<vmem>>
      %dma_wait3A_372 = arith.constant 0 : i32
      %dma_wait3A_373 = tpu.memref_slice %arg29[%dma_wait3A_372] : memref<1000000xf32, #tpu.memory_space<vmem_shared>> -> memref<1000000xf32, #tpu.memory_space<vmem_shared>>
      tpu.wait_indirect_dma semaphore(%arg31 : memref<!tpu.dma_semaphore, #tpu.memory_space<semaphore_mem>>) src(%dma_wait3A_373 : memref<1000000xf32, #tpu.memory_space<vmem_shared>>) dst(%dma_wait3A_369 : memref<128xf32, #tpu.memory_space<vmem>>)
      %dma_wait3A_374 = arith.constant 640 : i32
      %dma_wait3A_375 = tpu.memref_slice %arg21[%dma_wait3A_374] : memref<1024xf32, #tpu.memory_space<vmem>> -> memref<128xf32, #tpu.memory_space<vmem>>
      %dma_wait3A_376 = arith.constant 640 : i32
      %dma_wait3A_377 = tpu.memref_slice %arg16[%dma_wait3A_376] : memref<1024xi32, #tpu.memory_space<vmem>> -> memref<128xi32, #tpu.memory_space<vmem>>
      %dma_wait3A_378 = arith.constant 0 : i32
      %dma_wait3A_379 = tpu.memref_slice %arg29[%dma_wait3A_378] : memref<1000000xf32, #tpu.memory_space<vmem_shared>> -> memref<1000000xf32, #tpu.memory_space<vmem_shared>>
      tpu.wait_indirect_dma semaphore(%arg31 : memref<!tpu.dma_semaphore, #tpu.memory_space<semaphore_mem>>) src(%dma_wait3A_379 : memref<1000000xf32, #tpu.memory_space<vmem_shared>>) dst(%dma_wait3A_375 : memref<128xf32, #tpu.memory_space<vmem>>)
      %dma_wait3A_380 = arith.constant 768 : i32
      %dma_wait3A_381 = tpu.memref_slice %arg21[%dma_wait3A_380] : memref<1024xf32, #tpu.memory_space<vmem>> -> memref<128xf32, #tpu.memory_space<vmem>>
      %dma_wait3A_382 = arith.constant 768 : i32
      %dma_wait3A_383 = tpu.memref_slice %arg16[%dma_wait3A_382] : memref<1024xi32, #tpu.memory_space<vmem>> -> memref<128xi32, #tpu.memory_space<vmem>>
      %dma_wait3A_384 = arith.constant 0 : i32
      %dma_wait3A_385 = tpu.memref_slice %arg29[%dma_wait3A_384] : memref<1000000xf32, #tpu.memory_space<vmem_shared>> -> memref<1000000xf32, #tpu.memory_space<vmem_shared>>
      tpu.wait_indirect_dma semaphore(%arg31 : memref<!tpu.dma_semaphore, #tpu.memory_space<semaphore_mem>>) src(%dma_wait3A_385 : memref<1000000xf32, #tpu.memory_space<vmem_shared>>) dst(%dma_wait3A_381 : memref<128xf32, #tpu.memory_space<vmem>>)
      %dma_wait3A_386 = arith.constant 896 : i32
      %dma_wait3A_387 = tpu.memref_slice %arg21[%dma_wait3A_386] : memref<1024xf32, #tpu.memory_space<vmem>> -> memref<128xf32, #tpu.memory_space<vmem>>
      %dma_wait3A_388 = arith.constant 896 : i32
      %dma_wait3A_389 = tpu.memref_slice %arg16[%dma_wait3A_388] : memref<1024xi32, #tpu.memory_space<vmem>> -> memref<128xi32, #tpu.memory_space<vmem>>
      %dma_wait3A_390 = arith.constant 0 : i32
      %dma_wait3A_391 = tpu.memref_slice %arg29[%dma_wait3A_390] : memref<1000000xf32, #tpu.memory_space<vmem_shared>> -> memref<1000000xf32, #tpu.memory_space<vmem_shared>>
      tpu.wait_indirect_dma semaphore(%arg31 : memref<!tpu.dma_semaphore, #tpu.memory_space<semaphore_mem>>) src(%dma_wait3A_391 : memref<1000000xf32, #tpu.memory_space<vmem_shared>>) dst(%dma_wait3A_387 : memref<128xf32, #tpu.memory_space<vmem>>)
      %dma_wait3A_392 = arith.constant 0 : i32
      %dma_wait3A_393 = tpu.memref_slice %arg23[%dma_wait3A_392] : memref<1024xf32, #tpu.memory_space<vmem>> -> memref<128xf32, #tpu.memory_space<vmem>>
      %dma_wait3A_394 = arith.constant 0 : i32
      %dma_wait3A_395 = tpu.memref_slice %arg17[%dma_wait3A_394] : memref<1024xi32, #tpu.memory_space<vmem>> -> memref<128xi32, #tpu.memory_space<vmem>>
      %dma_wait3A_396 = arith.constant 0 : i32
      %dma_wait3A_397 = tpu.memref_slice %arg29[%dma_wait3A_396] : memref<1000000xf32, #tpu.memory_space<vmem_shared>> -> memref<1000000xf32, #tpu.memory_space<vmem_shared>>
      tpu.wait_indirect_dma semaphore(%arg31 : memref<!tpu.dma_semaphore, #tpu.memory_space<semaphore_mem>>) src(%dma_wait3A_397 : memref<1000000xf32, #tpu.memory_space<vmem_shared>>) dst(%dma_wait3A_393 : memref<128xf32, #tpu.memory_space<vmem>>)
      %dma_wait3A_398 = arith.constant 128 : i32
      %dma_wait3A_399 = tpu.memref_slice %arg23[%dma_wait3A_398] : memref<1024xf32, #tpu.memory_space<vmem>> -> memref<128xf32, #tpu.memory_space<vmem>>
      %dma_wait3A_400 = arith.constant 128 : i32
      %dma_wait3A_401 = tpu.memref_slice %arg17[%dma_wait3A_400] : memref<1024xi32, #tpu.memory_space<vmem>> -> memref<128xi32, #tpu.memory_space<vmem>>
      %dma_wait3A_402 = arith.constant 0 : i32
      %dma_wait3A_403 = tpu.memref_slice %arg29[%dma_wait3A_402] : memref<1000000xf32, #tpu.memory_space<vmem_shared>> -> memref<1000000xf32, #tpu.memory_space<vmem_shared>>
      tpu.wait_indirect_dma semaphore(%arg31 : memref<!tpu.dma_semaphore, #tpu.memory_space<semaphore_mem>>) src(%dma_wait3A_403 : memref<1000000xf32, #tpu.memory_space<vmem_shared>>) dst(%dma_wait3A_399 : memref<128xf32, #tpu.memory_space<vmem>>)
      %dma_wait3A_404 = arith.constant 256 : i32
      %dma_wait3A_405 = tpu.memref_slice %arg23[%dma_wait3A_404] : memref<1024xf32, #tpu.memory_space<vmem>> -> memref<128xf32, #tpu.memory_space<vmem>>
      %dma_wait3A_406 = arith.constant 256 : i32
      %dma_wait3A_407 = tpu.memref_slice %arg17[%dma_wait3A_406] : memref<1024xi32, #tpu.memory_space<vmem>> -> memref<128xi32, #tpu.memory_space<vmem>>
      %dma_wait3A_408 = arith.constant 0 : i32
      %dma_wait3A_409 = tpu.memref_slice %arg29[%dma_wait3A_408] : memref<1000000xf32, #tpu.memory_space<vmem_shared>> -> memref<1000000xf32, #tpu.memory_space<vmem_shared>>
      tpu.wait_indirect_dma semaphore(%arg31 : memref<!tpu.dma_semaphore, #tpu.memory_space<semaphore_mem>>) src(%dma_wait3A_409 : memref<1000000xf32, #tpu.memory_space<vmem_shared>>) dst(%dma_wait3A_405 : memref<128xf32, #tpu.memory_space<vmem>>)
      %dma_wait3A_410 = arith.constant 384 : i32
      %dma_wait3A_411 = tpu.memref_slice %arg23[%dma_wait3A_410] : memref<1024xf32, #tpu.memory_space<vmem>> -> memref<128xf32, #tpu.memory_space<vmem>>
      %dma_wait3A_412 = arith.constant 384 : i32
      %dma_wait3A_413 = tpu.memref_slice %arg17[%dma_wait3A_412] : memref<1024xi32, #tpu.memory_space<vmem>> -> memref<128xi32, #tpu.memory_space<vmem>>
      %dma_wait3A_414 = arith.constant 0 : i32
      %dma_wait3A_415 = tpu.memref_slice %arg29[%dma_wait3A_414] : memref<1000000xf32, #tpu.memory_space<vmem_shared>> -> memref<1000000xf32, #tpu.memory_space<vmem_shared>>
      tpu.wait_indirect_dma semaphore(%arg31 : memref<!tpu.dma_semaphore, #tpu.memory_space<semaphore_mem>>) src(%dma_wait3A_415 : memref<1000000xf32, #tpu.memory_space<vmem_shared>>) dst(%dma_wait3A_411 : memref<128xf32, #tpu.memory_space<vmem>>)
      %dma_wait3A_416 = arith.constant 512 : i32
      %dma_wait3A_417 = tpu.memref_slice %arg23[%dma_wait3A_416] : memref<1024xf32, #tpu.memory_space<vmem>> -> memref<128xf32, #tpu.memory_space<vmem>>
      %dma_wait3A_418 = arith.constant 512 : i32
      %dma_wait3A_419 = tpu.memref_slice %arg17[%dma_wait3A_418] : memref<1024xi32, #tpu.memory_space<vmem>> -> memref<128xi32, #tpu.memory_space<vmem>>
      %dma_wait3A_420 = arith.constant 0 : i32
      %dma_wait3A_421 = tpu.memref_slice %arg29[%dma_wait3A_420] : memref<1000000xf32, #tpu.memory_space<vmem_shared>> -> memref<1000000xf32, #tpu.memory_space<vmem_shared>>
      tpu.wait_indirect_dma semaphore(%arg31 : memref<!tpu.dma_semaphore, #tpu.memory_space<semaphore_mem>>) src(%dma_wait3A_421 : memref<1000000xf32, #tpu.memory_space<vmem_shared>>) dst(%dma_wait3A_417 : memref<128xf32, #tpu.memory_space<vmem>>)
      %dma_wait3A_422 = arith.constant 640 : i32
      %dma_wait3A_423 = tpu.memref_slice %arg23[%dma_wait3A_422] : memref<1024xf32, #tpu.memory_space<vmem>> -> memref<128xf32, #tpu.memory_space<vmem>>
      %dma_wait3A_424 = arith.constant 640 : i32
      %dma_wait3A_425 = tpu.memref_slice %arg17[%dma_wait3A_424] : memref<1024xi32, #tpu.memory_space<vmem>> -> memref<128xi32, #tpu.memory_space<vmem>>
      %dma_wait3A_426 = arith.constant 0 : i32
      %dma_wait3A_427 = tpu.memref_slice %arg29[%dma_wait3A_426] : memref<1000000xf32, #tpu.memory_space<vmem_shared>> -> memref<1000000xf32, #tpu.memory_space<vmem_shared>>
      tpu.wait_indirect_dma semaphore(%arg31 : memref<!tpu.dma_semaphore, #tpu.memory_space<semaphore_mem>>) src(%dma_wait3A_427 : memref<1000000xf32, #tpu.memory_space<vmem_shared>>) dst(%dma_wait3A_423 : memref<128xf32, #tpu.memory_space<vmem>>)
      %dma_wait3A_428 = arith.constant 768 : i32
      %dma_wait3A_429 = tpu.memref_slice %arg23[%dma_wait3A_428] : memref<1024xf32, #tpu.memory_space<vmem>> -> memref<128xf32, #tpu.memory_space<vmem>>
      %dma_wait3A_430 = arith.constant 768 : i32
      %dma_wait3A_431 = tpu.memref_slice %arg17[%dma_wait3A_430] : memref<1024xi32, #tpu.memory_space<vmem>> -> memref<128xi32, #tpu.memory_space<vmem>>
      %dma_wait3A_432 = arith.constant 0 : i32
      %dma_wait3A_433 = tpu.memref_slice %arg29[%dma_wait3A_432] : memref<1000000xf32, #tpu.memory_space<vmem_shared>> -> memref<1000000xf32, #tpu.memory_space<vmem_shared>>
      tpu.wait_indirect_dma semaphore(%arg31 : memref<!tpu.dma_semaphore, #tpu.memory_space<semaphore_mem>>) src(%dma_wait3A_433 : memref<1000000xf32, #tpu.memory_space<vmem_shared>>) dst(%dma_wait3A_429 : memref<128xf32, #tpu.memory_space<vmem>>)
      %dma_wait3A_434 = arith.constant 896 : i32
      %dma_wait3A_435 = tpu.memref_slice %arg23[%dma_wait3A_434] : memref<1024xf32, #tpu.memory_space<vmem>> -> memref<128xf32, #tpu.memory_space<vmem>>
      %dma_wait3A_436 = arith.constant 896 : i32
      %dma_wait3A_437 = tpu.memref_slice %arg17[%dma_wait3A_436] : memref<1024xi32, #tpu.memory_space<vmem>> -> memref<128xi32, #tpu.memory_space<vmem>>
      %dma_wait3A_438 = arith.constant 0 : i32
      %dma_wait3A_439 = tpu.memref_slice %arg29[%dma_wait3A_438] : memref<1000000xf32, #tpu.memory_space<vmem_shared>> -> memref<1000000xf32, #tpu.memory_space<vmem_shared>>
      tpu.wait_indirect_dma semaphore(%arg31 : memref<!tpu.dma_semaphore, #tpu.memory_space<semaphore_mem>>) src(%dma_wait3A_439 : memref<1000000xf32, #tpu.memory_space<vmem_shared>>) dst(%dma_wait3A_435 : memref<128xf32, #tpu.memory_space<vmem>>)
      %barrier3A_440 = arith.constant 0 : index
      tpu.barrier barrier_id(%barrier3A_440)
      %mul3A_441 = arith.constant 62464 : i32
      %mul3A_442 = arith.muli %arg1, %mul3A_441 : i32
      %multiple_of3A_443 = tpu.assume_multiple %mul3A_442, 128 : i32
      %dma_start3A_444 = tpu.memref_slice %arg29[%multiple_of3A_443] : memref<1000000xf32, #tpu.memory_space<vmem_shared>> -> memref<62464xf32, #tpu.memory_space<vmem_shared>>
      %dma_start3A_445 = tpu.memref_slice %arg8[%add3A, %multiple_of3A_443] : memref<64x1000000xf32, #tpu.memory_space<hbm>> -> memref<1x62464xf32, #tpu.memory_space<hbm>>
      %dma_start3A_446 = tpu.memref_squeeze %dma_start3A_445 : memref<1x62464xf32, #tpu.memory_space<hbm>> -> memref<62464xf32, #tpu.memory_space<hbm>>
      tpu.enqueue_dma source(%dma_start3A_446 : memref<62464xf32, #tpu.memory_space<hbm>>) target(%dma_start3A_444 : memref<62464xf32, #tpu.memory_space<vmem_shared>>) target_semaphore(%arg30 : memref<!tpu.dma_semaphore, #tpu.memory_space<semaphore_mem>>)
      %eq3A_447 = arith.constant 15 : i32
      %eq3A_448 = arith.cmpi eq, %arg1, %eq3A_447 : i32
      %convert_element_type3A_449 = arith.extui %eq3A_448 : i1 to i32
      %cond3A_450 = arith.constant 0 : i32
      %cond3A_451 = arith.cmpi ne, %convert_element_type3A_449, %cond3A_450 : i32
      scf.if %cond3A_451 {
        %mul3A_673 = arith.constant 576 : i32
        %mul3A_674 = arith.muli %add3A, %mul3A_673 : i32
        "tpu.region"() ({
          %run_scoped3A = tpu.sem_alloc : memref<!tpu.dma_semaphore, #tpu.memory_space<semaphore_mem>>
          %dma_start3A_675 = tpu.memref_slice %arg12[%mul3A_674] : memref<36864xf32, #tpu.memory_space<hbm>> -> memref<576xf32, #tpu.memory_space<hbm>>
          %dma_start3A_676 = tpu.memref_slice %arg12[%mul3A_674] : memref<36864xf32, #tpu.memory_space<hbm>> -> memref<576xf32, #tpu.memory_space<hbm>>
          tpu.enqueue_dma source(%dma_start3A_676 : memref<576xf32, #tpu.memory_space<hbm>>) target(%arg28 : memref<576xf32, #tpu.memory_space<vmem>>) target_semaphore(%run_scoped3A : memref<!tpu.dma_semaphore, #tpu.memory_space<semaphore_mem>>)
          %dma_wait3A_677 = tpu.memref_slice %arg12[%mul3A_674] : memref<36864xf32, #tpu.memory_space<hbm>> -> memref<576xf32, #tpu.memory_space<hbm>>
          %dma_wait3A_678 = tpu.memref_slice %arg12[%mul3A_674] : memref<36864xf32, #tpu.memory_space<hbm>> -> memref<576xf32, #tpu.memory_space<hbm>>
          tpu.wait_dma2 semaphore(%run_scoped3A : memref<!tpu.dma_semaphore, #tpu.memory_space<semaphore_mem>>) src(%dma_wait3A_678 : memref<576xf32, #tpu.memory_space<hbm>>) dst(%arg28 : memref<576xf32, #tpu.memory_space<vmem>>)
          tpu.yield
        }) : () -> ()
        "tpu.region"() ({
          %run_scoped3A = tpu.sem_alloc : memref<!tpu.dma_semaphore, #tpu.memory_space<semaphore_mem>>
          %dma_start3A_675 = arith.constant 999424 : i32
          %dma_start3A_676 = tpu.memref_slice %arg29[%dma_start3A_675] : memref<1000000xf32, #tpu.memory_space<vmem_shared>> -> memref<576xf32, #tpu.memory_space<vmem_shared>>
          %dma_start3A_677 = arith.constant 999424 : i32
          %dma_start3A_678 = tpu.memref_slice %arg29[%dma_start3A_677] : memref<1000000xf32, #tpu.memory_space<vmem_shared>> -> memref<576xf32, #tpu.memory_space<vmem_shared>>
          tpu.enqueue_dma source(%arg28 : memref<576xf32, #tpu.memory_space<vmem>>) target(%dma_start3A_678 : memref<576xf32, #tpu.memory_space<vmem_shared>>) target_semaphore(%run_scoped3A : memref<!tpu.dma_semaphore, #tpu.memory_space<semaphore_mem>>)
          %dma_wait3A_679 = arith.constant 999424 : i32
          %dma_wait3A_680 = tpu.memref_slice %arg29[%dma_wait3A_679] : memref<1000000xf32, #tpu.memory_space<vmem_shared>> -> memref<576xf32, #tpu.memory_space<vmem_shared>>
          %dma_wait3A_681 = arith.constant 999424 : i32
          %dma_wait3A_682 = tpu.memref_slice %arg29[%dma_wait3A_681] : memref<1000000xf32, #tpu.memory_space<vmem_shared>> -> memref<576xf32, #tpu.memory_space<vmem_shared>>
          tpu.wait_dma2 semaphore(%run_scoped3A : memref<!tpu.dma_semaphore, #tpu.memory_space<semaphore_mem>>) src(%arg28 : memref<576xf32, #tpu.memory_space<vmem>>) dst(%dma_wait3A_682 : memref<576xf32, #tpu.memory_space<vmem_shared>>)
          tpu.yield
        }) : () -> ()
      } else {
      }
      %dma_wait3A_452 = tpu.memref_slice %arg29[%multiple_of3A_443] : memref<1000000xf32, #tpu.memory_space<vmem_shared>> -> memref<62464xf32, #tpu.memory_space<vmem_shared>>
      %dma_wait3A_453 = tpu.memref_slice %arg8[%add3A, %multiple_of3A_443] : memref<64x1000000xf32, #tpu.memory_space<hbm>> -> memref<1x62464xf32, #tpu.memory_space<hbm>>
      %dma_wait3A_454 = tpu.memref_squeeze %dma_wait3A_453 : memref<1x62464xf32, #tpu.memory_space<hbm>> -> memref<62464xf32, #tpu.memory_space<hbm>>
      tpu.wait_dma2 semaphore(%arg30 : memref<!tpu.dma_semaphore, #tpu.memory_space<semaphore_mem>>) src(%dma_wait3A_454 : memref<62464xf32, #tpu.memory_space<hbm>>) dst(%dma_wait3A_452 : memref<62464xf32, #tpu.memory_space<vmem_shared>>)
      %barrier3A_455 = arith.constant 0 : index
      tpu.barrier barrier_id(%barrier3A_455)
      %dma_start3A_456 = arith.constant 0 : i32
      %dma_start3A_457 = tpu.memref_slice %arg24[%dma_start3A_456] : memref<1024xf32, #tpu.memory_space<vmem>> -> memref<128xf32, #tpu.memory_space<vmem>>
      %dma_start3A_458 = arith.constant 0 : i32
      %dma_start3A_459 = tpu.memref_slice %arg18[%dma_start3A_458] : memref<1024xi32, #tpu.memory_space<vmem>> -> memref<128xi32, #tpu.memory_space<vmem>>
      %dma_start3A_460 = arith.constant 0 : i32
      %dma_start3A_461 = tpu.memref_slice %arg29[%dma_start3A_460] : memref<1000000xf32, #tpu.memory_space<vmem_shared>> -> memref<1000000xf32, #tpu.memory_space<vmem_shared>>
      tpu.enqueue_indirect_dma source(%dma_start3A_461 : memref<1000000xf32, #tpu.memory_space<vmem_shared>>) target(%dma_start3A_457 : memref<128xf32, #tpu.memory_space<vmem>>) offsets(%dma_start3A_459 : memref<128xi32, #tpu.memory_space<vmem>>) semaphore(%arg31 : memref<!tpu.dma_semaphore, #tpu.memory_space<semaphore_mem>>)
      %dma_start3A_462 = arith.constant 128 : i32
      %dma_start3A_463 = tpu.memref_slice %arg24[%dma_start3A_462] : memref<1024xf32, #tpu.memory_space<vmem>> -> memref<128xf32, #tpu.memory_space<vmem>>
      %dma_start3A_464 = arith.constant 128 : i32
      %dma_start3A_465 = tpu.memref_slice %arg18[%dma_start3A_464] : memref<1024xi32, #tpu.memory_space<vmem>> -> memref<128xi32, #tpu.memory_space<vmem>>
      %dma_start3A_466 = arith.constant 0 : i32
      %dma_start3A_467 = tpu.memref_slice %arg29[%dma_start3A_466] : memref<1000000xf32, #tpu.memory_space<vmem_shared>> -> memref<1000000xf32, #tpu.memory_space<vmem_shared>>
      tpu.enqueue_indirect_dma source(%dma_start3A_467 : memref<1000000xf32, #tpu.memory_space<vmem_shared>>) target(%dma_start3A_463 : memref<128xf32, #tpu.memory_space<vmem>>) offsets(%dma_start3A_465 : memref<128xi32, #tpu.memory_space<vmem>>) semaphore(%arg31 : memref<!tpu.dma_semaphore, #tpu.memory_space<semaphore_mem>>)
      %dma_start3A_468 = arith.constant 256 : i32
      %dma_start3A_469 = tpu.memref_slice %arg24[%dma_start3A_468] : memref<1024xf32, #tpu.memory_space<vmem>> -> memref<128xf32, #tpu.memory_space<vmem>>
      %dma_start3A_470 = arith.constant 256 : i32
      %dma_start3A_471 = tpu.memref_slice %arg18[%dma_start3A_470] : memref<1024xi32, #tpu.memory_space<vmem>> -> memref<128xi32, #tpu.memory_space<vmem>>
      %dma_start3A_472 = arith.constant 0 : i32
      %dma_start3A_473 = tpu.memref_slice %arg29[%dma_start3A_472] : memref<1000000xf32, #tpu.memory_space<vmem_shared>> -> memref<1000000xf32, #tpu.memory_space<vmem_shared>>
      tpu.enqueue_indirect_dma source(%dma_start3A_473 : memref<1000000xf32, #tpu.memory_space<vmem_shared>>) target(%dma_start3A_469 : memref<128xf32, #tpu.memory_space<vmem>>) offsets(%dma_start3A_471 : memref<128xi32, #tpu.memory_space<vmem>>) semaphore(%arg31 : memref<!tpu.dma_semaphore, #tpu.memory_space<semaphore_mem>>)
      %dma_start3A_474 = arith.constant 384 : i32
      %dma_start3A_475 = tpu.memref_slice %arg24[%dma_start3A_474] : memref<1024xf32, #tpu.memory_space<vmem>> -> memref<128xf32, #tpu.memory_space<vmem>>
      %dma_start3A_476 = arith.constant 384 : i32
      %dma_start3A_477 = tpu.memref_slice %arg18[%dma_start3A_476] : memref<1024xi32, #tpu.memory_space<vmem>> -> memref<128xi32, #tpu.memory_space<vmem>>
      %dma_start3A_478 = arith.constant 0 : i32
      %dma_start3A_479 = tpu.memref_slice %arg29[%dma_start3A_478] : memref<1000000xf32, #tpu.memory_space<vmem_shared>> -> memref<1000000xf32, #tpu.memory_space<vmem_shared>>
      tpu.enqueue_indirect_dma source(%dma_start3A_479 : memref<1000000xf32, #tpu.memory_space<vmem_shared>>) target(%dma_start3A_475 : memref<128xf32, #tpu.memory_space<vmem>>) offsets(%dma_start3A_477 : memref<128xi32, #tpu.memory_space<vmem>>) semaphore(%arg31 : memref<!tpu.dma_semaphore, #tpu.memory_space<semaphore_mem>>)
      %dma_start3A_480 = arith.constant 512 : i32
      %dma_start3A_481 = tpu.memref_slice %arg24[%dma_start3A_480] : memref<1024xf32, #tpu.memory_space<vmem>> -> memref<128xf32, #tpu.memory_space<vmem>>
      %dma_start3A_482 = arith.constant 512 : i32
      %dma_start3A_483 = tpu.memref_slice %arg18[%dma_start3A_482] : memref<1024xi32, #tpu.memory_space<vmem>> -> memref<128xi32, #tpu.memory_space<vmem>>
      %dma_start3A_484 = arith.constant 0 : i32
      %dma_start3A_485 = tpu.memref_slice %arg29[%dma_start3A_484] : memref<1000000xf32, #tpu.memory_space<vmem_shared>> -> memref<1000000xf32, #tpu.memory_space<vmem_shared>>
      tpu.enqueue_indirect_dma source(%dma_start3A_485 : memref<1000000xf32, #tpu.memory_space<vmem_shared>>) target(%dma_start3A_481 : memref<128xf32, #tpu.memory_space<vmem>>) offsets(%dma_start3A_483 : memref<128xi32, #tpu.memory_space<vmem>>) semaphore(%arg31 : memref<!tpu.dma_semaphore, #tpu.memory_space<semaphore_mem>>)
      %dma_start3A_486 = arith.constant 640 : i32
      %dma_start3A_487 = tpu.memref_slice %arg24[%dma_start3A_486] : memref<1024xf32, #tpu.memory_space<vmem>> -> memref<128xf32, #tpu.memory_space<vmem>>
      %dma_start3A_488 = arith.constant 640 : i32
      %dma_start3A_489 = tpu.memref_slice %arg18[%dma_start3A_488] : memref<1024xi32, #tpu.memory_space<vmem>> -> memref<128xi32, #tpu.memory_space<vmem>>
      %dma_start3A_490 = arith.constant 0 : i32
      %dma_start3A_491 = tpu.memref_slice %arg29[%dma_start3A_490] : memref<1000000xf32, #tpu.memory_space<vmem_shared>> -> memref<1000000xf32, #tpu.memory_space<vmem_shared>>
      tpu.enqueue_indirect_dma source(%dma_start3A_491 : memref<1000000xf32, #tpu.memory_space<vmem_shared>>) target(%dma_start3A_487 : memref<128xf32, #tpu.memory_space<vmem>>) offsets(%dma_start3A_489 : memref<128xi32, #tpu.memory_space<vmem>>) semaphore(%arg31 : memref<!tpu.dma_semaphore, #tpu.memory_space<semaphore_mem>>)
      %dma_start3A_492 = arith.constant 768 : i32
      %dma_start3A_493 = tpu.memref_slice %arg24[%dma_start3A_492] : memref<1024xf32, #tpu.memory_space<vmem>> -> memref<128xf32, #tpu.memory_space<vmem>>
      %dma_start3A_494 = arith.constant 768 : i32
      %dma_start3A_495 = tpu.memref_slice %arg18[%dma_start3A_494] : memref<1024xi32, #tpu.memory_space<vmem>> -> memref<128xi32, #tpu.memory_space<vmem>>
      %dma_start3A_496 = arith.constant 0 : i32
      %dma_start3A_497 = tpu.memref_slice %arg29[%dma_start3A_496] : memref<1000000xf32, #tpu.memory_space<vmem_shared>> -> memref<1000000xf32, #tpu.memory_space<vmem_shared>>
      tpu.enqueue_indirect_dma source(%dma_start3A_497 : memref<1000000xf32, #tpu.memory_space<vmem_shared>>) target(%dma_start3A_493 : memref<128xf32, #tpu.memory_space<vmem>>) offsets(%dma_start3A_495 : memref<128xi32, #tpu.memory_space<vmem>>) semaphore(%arg31 : memref<!tpu.dma_semaphore, #tpu.memory_space<semaphore_mem>>)
      %dma_start3A_498 = arith.constant 896 : i32
      %dma_start3A_499 = tpu.memref_slice %arg24[%dma_start3A_498] : memref<1024xf32, #tpu.memory_space<vmem>> -> memref<128xf32, #tpu.memory_space<vmem>>
      %dma_start3A_500 = arith.constant 896 : i32
      %dma_start3A_501 = tpu.memref_slice %arg18[%dma_start3A_500] : memref<1024xi32, #tpu.memory_space<vmem>> -> memref<128xi32, #tpu.memory_space<vmem>>
      %dma_start3A_502 = arith.constant 0 : i32
      %dma_start3A_503 = tpu.memref_slice %arg29[%dma_start3A_502] : memref<1000000xf32, #tpu.memory_space<vmem_shared>> -> memref<1000000xf32, #tpu.memory_space<vmem_shared>>
      tpu.enqueue_indirect_dma source(%dma_start3A_503 : memref<1000000xf32, #tpu.memory_space<vmem_shared>>) target(%dma_start3A_499 : memref<128xf32, #tpu.memory_space<vmem>>) offsets(%dma_start3A_501 : memref<128xi32, #tpu.memory_space<vmem>>) semaphore(%arg31 : memref<!tpu.dma_semaphore, #tpu.memory_space<semaphore_mem>>)
      %dma_wait3A_504 = arith.constant 0 : i32
      %dma_wait3A_505 = tpu.memref_slice %arg24[%dma_wait3A_504] : memref<1024xf32, #tpu.memory_space<vmem>> -> memref<128xf32, #tpu.memory_space<vmem>>
      %dma_wait3A_506 = arith.constant 0 : i32
      %dma_wait3A_507 = tpu.memref_slice %arg18[%dma_wait3A_506] : memref<1024xi32, #tpu.memory_space<vmem>> -> memref<128xi32, #tpu.memory_space<vmem>>
      %dma_wait3A_508 = arith.constant 0 : i32
      %dma_wait3A_509 = tpu.memref_slice %arg29[%dma_wait3A_508] : memref<1000000xf32, #tpu.memory_space<vmem_shared>> -> memref<1000000xf32, #tpu.memory_space<vmem_shared>>
      tpu.wait_indirect_dma semaphore(%arg31 : memref<!tpu.dma_semaphore, #tpu.memory_space<semaphore_mem>>) src(%dma_wait3A_509 : memref<1000000xf32, #tpu.memory_space<vmem_shared>>) dst(%dma_wait3A_505 : memref<128xf32, #tpu.memory_space<vmem>>)
      %dma_wait3A_510 = arith.constant 128 : i32
      %dma_wait3A_511 = tpu.memref_slice %arg24[%dma_wait3A_510] : memref<1024xf32, #tpu.memory_space<vmem>> -> memref<128xf32, #tpu.memory_space<vmem>>
      %dma_wait3A_512 = arith.constant 128 : i32
      %dma_wait3A_513 = tpu.memref_slice %arg18[%dma_wait3A_512] : memref<1024xi32, #tpu.memory_space<vmem>> -> memref<128xi32, #tpu.memory_space<vmem>>
      %dma_wait3A_514 = arith.constant 0 : i32
      %dma_wait3A_515 = tpu.memref_slice %arg29[%dma_wait3A_514] : memref<1000000xf32, #tpu.memory_space<vmem_shared>> -> memref<1000000xf32, #tpu.memory_space<vmem_shared>>
      tpu.wait_indirect_dma semaphore(%arg31 : memref<!tpu.dma_semaphore, #tpu.memory_space<semaphore_mem>>) src(%dma_wait3A_515 : memref<1000000xf32, #tpu.memory_space<vmem_shared>>) dst(%dma_wait3A_511 : memref<128xf32, #tpu.memory_space<vmem>>)
      %dma_wait3A_516 = arith.constant 256 : i32
      %dma_wait3A_517 = tpu.memref_slice %arg24[%dma_wait3A_516] : memref<1024xf32, #tpu.memory_space<vmem>> -> memref<128xf32, #tpu.memory_space<vmem>>
      %dma_wait3A_518 = arith.constant 256 : i32
      %dma_wait3A_519 = tpu.memref_slice %arg18[%dma_wait3A_518] : memref<1024xi32, #tpu.memory_space<vmem>> -> memref<128xi32, #tpu.memory_space<vmem>>
      %dma_wait3A_520 = arith.constant 0 : i32
      %dma_wait3A_521 = tpu.memref_slice %arg29[%dma_wait3A_520] : memref<1000000xf32, #tpu.memory_space<vmem_shared>> -> memref<1000000xf32, #tpu.memory_space<vmem_shared>>
      tpu.wait_indirect_dma semaphore(%arg31 : memref<!tpu.dma_semaphore, #tpu.memory_space<semaphore_mem>>) src(%dma_wait3A_521 : memref<1000000xf32, #tpu.memory_space<vmem_shared>>) dst(%dma_wait3A_517 : memref<128xf32, #tpu.memory_space<vmem>>)
      %dma_wait3A_522 = arith.constant 384 : i32
      %dma_wait3A_523 = tpu.memref_slice %arg24[%dma_wait3A_522] : memref<1024xf32, #tpu.memory_space<vmem>> -> memref<128xf32, #tpu.memory_space<vmem>>
      %dma_wait3A_524 = arith.constant 384 : i32
      %dma_wait3A_525 = tpu.memref_slice %arg18[%dma_wait3A_524] : memref<1024xi32, #tpu.memory_space<vmem>> -> memref<128xi32, #tpu.memory_space<vmem>>
      %dma_wait3A_526 = arith.constant 0 : i32
      %dma_wait3A_527 = tpu.memref_slice %arg29[%dma_wait3A_526] : memref<1000000xf32, #tpu.memory_space<vmem_shared>> -> memref<1000000xf32, #tpu.memory_space<vmem_shared>>
      tpu.wait_indirect_dma semaphore(%arg31 : memref<!tpu.dma_semaphore, #tpu.memory_space<semaphore_mem>>) src(%dma_wait3A_527 : memref<1000000xf32, #tpu.memory_space<vmem_shared>>) dst(%dma_wait3A_523 : memref<128xf32, #tpu.memory_space<vmem>>)
      %dma_wait3A_528 = arith.constant 512 : i32
      %dma_wait3A_529 = tpu.memref_slice %arg24[%dma_wait3A_528] : memref<1024xf32, #tpu.memory_space<vmem>> -> memref<128xf32, #tpu.memory_space<vmem>>
      %dma_wait3A_530 = arith.constant 512 : i32
      %dma_wait3A_531 = tpu.memref_slice %arg18[%dma_wait3A_530] : memref<1024xi32, #tpu.memory_space<vmem>> -> memref<128xi32, #tpu.memory_space<vmem>>
      %dma_wait3A_532 = arith.constant 0 : i32
      %dma_wait3A_533 = tpu.memref_slice %arg29[%dma_wait3A_532] : memref<1000000xf32, #tpu.memory_space<vmem_shared>> -> memref<1000000xf32, #tpu.memory_space<vmem_shared>>
      tpu.wait_indirect_dma semaphore(%arg31 : memref<!tpu.dma_semaphore, #tpu.memory_space<semaphore_mem>>) src(%dma_wait3A_533 : memref<1000000xf32, #tpu.memory_space<vmem_shared>>) dst(%dma_wait3A_529 : memref<128xf32, #tpu.memory_space<vmem>>)
      %dma_wait3A_534 = arith.constant 640 : i32
      %dma_wait3A_535 = tpu.memref_slice %arg24[%dma_wait3A_534] : memref<1024xf32, #tpu.memory_space<vmem>> -> memref<128xf32, #tpu.memory_space<vmem>>
      %dma_wait3A_536 = arith.constant 640 : i32
      %dma_wait3A_537 = tpu.memref_slice %arg18[%dma_wait3A_536] : memref<1024xi32, #tpu.memory_space<vmem>> -> memref<128xi32, #tpu.memory_space<vmem>>
      %dma_wait3A_538 = arith.constant 0 : i32
      %dma_wait3A_539 = tpu.memref_slice %arg29[%dma_wait3A_538] : memref<1000000xf32, #tpu.memory_space<vmem_shared>> -> memref<1000000xf32, #tpu.memory_space<vmem_shared>>
      tpu.wait_indirect_dma semaphore(%arg31 : memref<!tpu.dma_semaphore, #tpu.memory_space<semaphore_mem>>) src(%dma_wait3A_539 : memref<1000000xf32, #tpu.memory_space<vmem_shared>>) dst(%dma_wait3A_535 : memref<128xf32, #tpu.memory_space<vmem>>)
      %dma_wait3A_540 = arith.constant 768 : i32
      %dma_wait3A_541 = tpu.memref_slice %arg24[%dma_wait3A_540] : memref<1024xf32, #tpu.memory_space<vmem>> -> memref<128xf32, #tpu.memory_space<vmem>>
      %dma_wait3A_542 = arith.constant 768 : i32
      %dma_wait3A_543 = tpu.memref_slice %arg18[%dma_wait3A_542] : memref<1024xi32, #tpu.memory_space<vmem>> -> memref<128xi32, #tpu.memory_space<vmem>>
      %dma_wait3A_544 = arith.constant 0 : i32
      %dma_wait3A_545 = tpu.memref_slice %arg29[%dma_wait3A_544] : memref<1000000xf32, #tpu.memory_space<vmem_shared>> -> memref<1000000xf32, #tpu.memory_space<vmem_shared>>
      tpu.wait_indirect_dma semaphore(%arg31 : memref<!tpu.dma_semaphore, #tpu.memory_space<semaphore_mem>>) src(%dma_wait3A_545 : memref<1000000xf32, #tpu.memory_space<vmem_shared>>) dst(%dma_wait3A_541 : memref<128xf32, #tpu.memory_space<vmem>>)
      %dma_wait3A_546 = arith.constant 896 : i32
      %dma_wait3A_547 = tpu.memref_slice %arg24[%dma_wait3A_546] : memref<1024xf32, #tpu.memory_space<vmem>> -> memref<128xf32, #tpu.memory_space<vmem>>
      %dma_wait3A_548 = arith.constant 896 : i32
      %dma_wait3A_549 = tpu.memref_slice %arg18[%dma_wait3A_548] : memref<1024xi32, #tpu.memory_space<vmem>> -> memref<128xi32, #tpu.memory_space<vmem>>
      %dma_wait3A_550 = arith.constant 0 : i32
      %dma_wait3A_551 = tpu.memref_slice %arg29[%dma_wait3A_550] : memref<1000000xf32, #tpu.memory_space<vmem_shared>> -> memref<1000000xf32, #tpu.memory_space<vmem_shared>>
      tpu.wait_indirect_dma semaphore(%arg31 : memref<!tpu.dma_semaphore, #tpu.memory_space<semaphore_mem>>) src(%dma_wait3A_551 : memref<1000000xf32, #tpu.memory_space<vmem_shared>>) dst(%dma_wait3A_547 : memref<128xf32, #tpu.memory_space<vmem>>)
      %barrier3A_552 = arith.constant 0 : index
      tpu.barrier barrier_id(%barrier3A_552)
      %mul3A_553 = arith.constant 62464 : i32
      %mul3A_554 = arith.muli %arg1, %mul3A_553 : i32
      %multiple_of3A_555 = tpu.assume_multiple %mul3A_554, 128 : i32
      %dma_start3A_556 = tpu.memref_slice %arg29[%multiple_of3A_555] : memref<1000000xf32, #tpu.memory_space<vmem_shared>> -> memref<62464xf32, #tpu.memory_space<vmem_shared>>
      %dma_start3A_557 = tpu.memref_slice %arg9[%add3A, %multiple_of3A_555] : memref<64x1000000xf32, #tpu.memory_space<hbm>> -> memref<1x62464xf32, #tpu.memory_space<hbm>>
      %dma_start3A_558 = tpu.memref_squeeze %dma_start3A_557 : memref<1x62464xf32, #tpu.memory_space<hbm>> -> memref<62464xf32, #tpu.memory_space<hbm>>
      tpu.enqueue_dma source(%dma_start3A_558 : memref<62464xf32, #tpu.memory_space<hbm>>) target(%dma_start3A_556 : memref<62464xf32, #tpu.memory_space<vmem_shared>>) target_semaphore(%arg30 : memref<!tpu.dma_semaphore, #tpu.memory_space<semaphore_mem>>)
      %eq3A_559 = arith.constant 15 : i32
      %eq3A_560 = arith.cmpi eq, %arg1, %eq3A_559 : i32
      %convert_element_type3A_561 = arith.extui %eq3A_560 : i1 to i32
      %cond3A_562 = arith.constant 0 : i32
      %cond3A_563 = arith.cmpi ne, %convert_element_type3A_561, %cond3A_562 : i32
      scf.if %cond3A_563 {
        %mul3A_673 = arith.constant 576 : i32
        %mul3A_674 = arith.muli %add3A, %mul3A_673 : i32
        "tpu.region"() ({
          %run_scoped3A = tpu.sem_alloc : memref<!tpu.dma_semaphore, #tpu.memory_space<semaphore_mem>>
          %dma_start3A_675 = tpu.memref_slice %arg13[%mul3A_674] : memref<36864xf32, #tpu.memory_space<hbm>> -> memref<576xf32, #tpu.memory_space<hbm>>
          %dma_start3A_676 = tpu.memref_slice %arg13[%mul3A_674] : memref<36864xf32, #tpu.memory_space<hbm>> -> memref<576xf32, #tpu.memory_space<hbm>>
          tpu.enqueue_dma source(%dma_start3A_676 : memref<576xf32, #tpu.memory_space<hbm>>) target(%arg28 : memref<576xf32, #tpu.memory_space<vmem>>) target_semaphore(%run_scoped3A : memref<!tpu.dma_semaphore, #tpu.memory_space<semaphore_mem>>)
          %dma_wait3A_677 = tpu.memref_slice %arg13[%mul3A_674] : memref<36864xf32, #tpu.memory_space<hbm>> -> memref<576xf32, #tpu.memory_space<hbm>>
          %dma_wait3A_678 = tpu.memref_slice %arg13[%mul3A_674] : memref<36864xf32, #tpu.memory_space<hbm>> -> memref<576xf32, #tpu.memory_space<hbm>>
          tpu.wait_dma2 semaphore(%run_scoped3A : memref<!tpu.dma_semaphore, #tpu.memory_space<semaphore_mem>>) src(%dma_wait3A_678 : memref<576xf32, #tpu.memory_space<hbm>>) dst(%arg28 : memref<576xf32, #tpu.memory_space<vmem>>)
          tpu.yield
        }) : () -> ()
        "tpu.region"() ({
          %run_scoped3A = tpu.sem_alloc : memref<!tpu.dma_semaphore, #tpu.memory_space<semaphore_mem>>
          %dma_start3A_675 = arith.constant 999424 : i32
          %dma_start3A_676 = tpu.memref_slice %arg29[%dma_start3A_675] : memref<1000000xf32, #tpu.memory_space<vmem_shared>> -> memref<576xf32, #tpu.memory_space<vmem_shared>>
          %dma_start3A_677 = arith.constant 999424 : i32
          %dma_start3A_678 = tpu.memref_slice %arg29[%dma_start3A_677] : memref<1000000xf32, #tpu.memory_space<vmem_shared>> -> memref<576xf32, #tpu.memory_space<vmem_shared>>
          tpu.enqueue_dma source(%arg28 : memref<576xf32, #tpu.memory_space<vmem>>) target(%dma_start3A_678 : memref<576xf32, #tpu.memory_space<vmem_shared>>) target_semaphore(%run_scoped3A : memref<!tpu.dma_semaphore, #tpu.memory_space<semaphore_mem>>)
          %dma_wait3A_679 = arith.constant 999424 : i32
          %dma_wait3A_680 = tpu.memref_slice %arg29[%dma_wait3A_679] : memref<1000000xf32, #tpu.memory_space<vmem_shared>> -> memref<576xf32, #tpu.memory_space<vmem_shared>>
          %dma_wait3A_681 = arith.constant 999424 : i32
          %dma_wait3A_682 = tpu.memref_slice %arg29[%dma_wait3A_681] : memref<1000000xf32, #tpu.memory_space<vmem_shared>> -> memref<576xf32, #tpu.memory_space<vmem_shared>>
          tpu.wait_dma2 semaphore(%run_scoped3A : memref<!tpu.dma_semaphore, #tpu.memory_space<semaphore_mem>>) src(%arg28 : memref<576xf32, #tpu.memory_space<vmem>>) dst(%dma_wait3A_682 : memref<576xf32, #tpu.memory_space<vmem_shared>>)
          tpu.yield
        }) : () -> ()
      } else {
      }
      %dma_wait3A_564 = tpu.memref_slice %arg29[%multiple_of3A_555] : memref<1000000xf32, #tpu.memory_space<vmem_shared>> -> memref<62464xf32, #tpu.memory_space<vmem_shared>>
      %dma_wait3A_565 = tpu.memref_slice %arg9[%add3A, %multiple_of3A_555] : memref<64x1000000xf32, #tpu.memory_space<hbm>> -> memref<1x62464xf32, #tpu.memory_space<hbm>>
      %dma_wait3A_566 = tpu.memref_squeeze %dma_wait3A_565 : memref<1x62464xf32, #tpu.memory_space<hbm>> -> memref<62464xf32, #tpu.memory_space<hbm>>
      tpu.wait_dma2 semaphore(%arg30 : memref<!tpu.dma_semaphore, #tpu.memory_space<semaphore_mem>>) src(%dma_wait3A_566 : memref<62464xf32, #tpu.memory_space<hbm>>) dst(%dma_wait3A_564 : memref<62464xf32, #tpu.memory_space<vmem_shared>>)
      %barrier3A_567 = arith.constant 0 : index
      tpu.barrier barrier_id(%barrier3A_567)
      %dma_start3A_568 = arith.constant 0 : i32
      %dma_start3A_569 = tpu.memref_slice %arg25[%dma_start3A_568] : memref<1024xf32, #tpu.memory_space<vmem>> -> memref<128xf32, #tpu.memory_space<vmem>>
      %dma_start3A_570 = arith.constant 0 : i32
      %dma_start3A_571 = tpu.memref_slice %arg18[%dma_start3A_570] : memref<1024xi32, #tpu.memory_space<vmem>> -> memref<128xi32, #tpu.memory_space<vmem>>
      %dma_start3A_572 = arith.constant 0 : i32
      %dma_start3A_573 = tpu.memref_slice %arg29[%dma_start3A_572] : memref<1000000xf32, #tpu.memory_space<vmem_shared>> -> memref<1000000xf32, #tpu.memory_space<vmem_shared>>
      tpu.enqueue_indirect_dma source(%dma_start3A_573 : memref<1000000xf32, #tpu.memory_space<vmem_shared>>) target(%dma_start3A_569 : memref<128xf32, #tpu.memory_space<vmem>>) offsets(%dma_start3A_571 : memref<128xi32, #tpu.memory_space<vmem>>) semaphore(%arg31 : memref<!tpu.dma_semaphore, #tpu.memory_space<semaphore_mem>>)
      %dma_start3A_574 = arith.constant 128 : i32
      %dma_start3A_575 = tpu.memref_slice %arg25[%dma_start3A_574] : memref<1024xf32, #tpu.memory_space<vmem>> -> memref<128xf32, #tpu.memory_space<vmem>>
      %dma_start3A_576 = arith.constant 128 : i32
      %dma_start3A_577 = tpu.memref_slice %arg18[%dma_start3A_576] : memref<1024xi32, #tpu.memory_space<vmem>> -> memref<128xi32, #tpu.memory_space<vmem>>
      %dma_start3A_578 = arith.constant 0 : i32
      %dma_start3A_579 = tpu.memref_slice %arg29[%dma_start3A_578] : memref<1000000xf32, #tpu.memory_space<vmem_shared>> -> memref<1000000xf32, #tpu.memory_space<vmem_shared>>
      tpu.enqueue_indirect_dma source(%dma_start3A_579 : memref<1000000xf32, #tpu.memory_space<vmem_shared>>) target(%dma_start3A_575 : memref<128xf32, #tpu.memory_space<vmem>>) offsets(%dma_start3A_577 : memref<128xi32, #tpu.memory_space<vmem>>) semaphore(%arg31 : memref<!tpu.dma_semaphore, #tpu.memory_space<semaphore_mem>>)
      %dma_start3A_580 = arith.constant 256 : i32
      %dma_start3A_581 = tpu.memref_slice %arg25[%dma_start3A_580] : memref<1024xf32, #tpu.memory_space<vmem>> -> memref<128xf32, #tpu.memory_space<vmem>>
      %dma_start3A_582 = arith.constant 256 : i32
      %dma_start3A_583 = tpu.memref_slice %arg18[%dma_start3A_582] : memref<1024xi32, #tpu.memory_space<vmem>> -> memref<128xi32, #tpu.memory_space<vmem>>
      %dma_start3A_584 = arith.constant 0 : i32
      %dma_start3A_585 = tpu.memref_slice %arg29[%dma_start3A_584] : memref<1000000xf32, #tpu.memory_space<vmem_shared>> -> memref<1000000xf32, #tpu.memory_space<vmem_shared>>
      tpu.enqueue_indirect_dma source(%dma_start3A_585 : memref<1000000xf32, #tpu.memory_space<vmem_shared>>) target(%dma_start3A_581 : memref<128xf32, #tpu.memory_space<vmem>>) offsets(%dma_start3A_583 : memref<128xi32, #tpu.memory_space<vmem>>) semaphore(%arg31 : memref<!tpu.dma_semaphore, #tpu.memory_space<semaphore_mem>>)
      %dma_start3A_586 = arith.constant 384 : i32
      %dma_start3A_587 = tpu.memref_slice %arg25[%dma_start3A_586] : memref<1024xf32, #tpu.memory_space<vmem>> -> memref<128xf32, #tpu.memory_space<vmem>>
      %dma_start3A_588 = arith.constant 384 : i32
      %dma_start3A_589 = tpu.memref_slice %arg18[%dma_start3A_588] : memref<1024xi32, #tpu.memory_space<vmem>> -> memref<128xi32, #tpu.memory_space<vmem>>
      %dma_start3A_590 = arith.constant 0 : i32
      %dma_start3A_591 = tpu.memref_slice %arg29[%dma_start3A_590] : memref<1000000xf32, #tpu.memory_space<vmem_shared>> -> memref<1000000xf32, #tpu.memory_space<vmem_shared>>
      tpu.enqueue_indirect_dma source(%dma_start3A_591 : memref<1000000xf32, #tpu.memory_space<vmem_shared>>) target(%dma_start3A_587 : memref<128xf32, #tpu.memory_space<vmem>>) offsets(%dma_start3A_589 : memref<128xi32, #tpu.memory_space<vmem>>) semaphore(%arg31 : memref<!tpu.dma_semaphore, #tpu.memory_space<semaphore_mem>>)
      %dma_start3A_592 = arith.constant 512 : i32
      %dma_start3A_593 = tpu.memref_slice %arg25[%dma_start3A_592] : memref<1024xf32, #tpu.memory_space<vmem>> -> memref<128xf32, #tpu.memory_space<vmem>>
      %dma_start3A_594 = arith.constant 512 : i32
      %dma_start3A_595 = tpu.memref_slice %arg18[%dma_start3A_594] : memref<1024xi32, #tpu.memory_space<vmem>> -> memref<128xi32, #tpu.memory_space<vmem>>
      %dma_start3A_596 = arith.constant 0 : i32
      %dma_start3A_597 = tpu.memref_slice %arg29[%dma_start3A_596] : memref<1000000xf32, #tpu.memory_space<vmem_shared>> -> memref<1000000xf32, #tpu.memory_space<vmem_shared>>
      tpu.enqueue_indirect_dma source(%dma_start3A_597 : memref<1000000xf32, #tpu.memory_space<vmem_shared>>) target(%dma_start3A_593 : memref<128xf32, #tpu.memory_space<vmem>>) offsets(%dma_start3A_595 : memref<128xi32, #tpu.memory_space<vmem>>) semaphore(%arg31 : memref<!tpu.dma_semaphore, #tpu.memory_space<semaphore_mem>>)
      %dma_start3A_598 = arith.constant 640 : i32
      %dma_start3A_599 = tpu.memref_slice %arg25[%dma_start3A_598] : memref<1024xf32, #tpu.memory_space<vmem>> -> memref<128xf32, #tpu.memory_space<vmem>>
      %dma_start3A_600 = arith.constant 640 : i32
      %dma_start3A_601 = tpu.memref_slice %arg18[%dma_start3A_600] : memref<1024xi32, #tpu.memory_space<vmem>> -> memref<128xi32, #tpu.memory_space<vmem>>
      %dma_start3A_602 = arith.constant 0 : i32
      %dma_start3A_603 = tpu.memref_slice %arg29[%dma_start3A_602] : memref<1000000xf32, #tpu.memory_space<vmem_shared>> -> memref<1000000xf32, #tpu.memory_space<vmem_shared>>
      tpu.enqueue_indirect_dma source(%dma_start3A_603 : memref<1000000xf32, #tpu.memory_space<vmem_shared>>) target(%dma_start3A_599 : memref<128xf32, #tpu.memory_space<vmem>>) offsets(%dma_start3A_601 : memref<128xi32, #tpu.memory_space<vmem>>) semaphore(%arg31 : memref<!tpu.dma_semaphore, #tpu.memory_space<semaphore_mem>>)
      %dma_start3A_604 = arith.constant 768 : i32
      %dma_start3A_605 = tpu.memref_slice %arg25[%dma_start3A_604] : memref<1024xf32, #tpu.memory_space<vmem>> -> memref<128xf32, #tpu.memory_space<vmem>>
      %dma_start3A_606 = arith.constant 768 : i32
      %dma_start3A_607 = tpu.memref_slice %arg18[%dma_start3A_606] : memref<1024xi32, #tpu.memory_space<vmem>> -> memref<128xi32, #tpu.memory_space<vmem>>
      %dma_start3A_608 = arith.constant 0 : i32
      %dma_start3A_609 = tpu.memref_slice %arg29[%dma_start3A_608] : memref<1000000xf32, #tpu.memory_space<vmem_shared>> -> memref<1000000xf32, #tpu.memory_space<vmem_shared>>
      tpu.enqueue_indirect_dma source(%dma_start3A_609 : memref<1000000xf32, #tpu.memory_space<vmem_shared>>) target(%dma_start3A_605 : memref<128xf32, #tpu.memory_space<vmem>>) offsets(%dma_start3A_607 : memref<128xi32, #tpu.memory_space<vmem>>) semaphore(%arg31 : memref<!tpu.dma_semaphore, #tpu.memory_space<semaphore_mem>>)
      %dma_start3A_610 = arith.constant 896 : i32
      %dma_start3A_611 = tpu.memref_slice %arg25[%dma_start3A_610] : memref<1024xf32, #tpu.memory_space<vmem>> -> memref<128xf32, #tpu.memory_space<vmem>>
      %dma_start3A_612 = arith.constant 896 : i32
      %dma_start3A_613 = tpu.memref_slice %arg18[%dma_start3A_612] : memref<1024xi32, #tpu.memory_space<vmem>> -> memref<128xi32, #tpu.memory_space<vmem>>
      %dma_start3A_614 = arith.constant 0 : i32
      %dma_start3A_615 = tpu.memref_slice %arg29[%dma_start3A_614] : memref<1000000xf32, #tpu.memory_space<vmem_shared>> -> memref<1000000xf32, #tpu.memory_space<vmem_shared>>
      tpu.enqueue_indirect_dma source(%dma_start3A_615 : memref<1000000xf32, #tpu.memory_space<vmem_shared>>) target(%dma_start3A_611 : memref<128xf32, #tpu.memory_space<vmem>>) offsets(%dma_start3A_613 : memref<128xi32, #tpu.memory_space<vmem>>) semaphore(%arg31 : memref<!tpu.dma_semaphore, #tpu.memory_space<semaphore_mem>>)
      %dma_wait3A_616 = arith.constant 0 : i32
      %dma_wait3A_617 = tpu.memref_slice %arg25[%dma_wait3A_616] : memref<1024xf32, #tpu.memory_space<vmem>> -> memref<128xf32, #tpu.memory_space<vmem>>
      %dma_wait3A_618 = arith.constant 0 : i32
      %dma_wait3A_619 = tpu.memref_slice %arg18[%dma_wait3A_618] : memref<1024xi32, #tpu.memory_space<vmem>> -> memref<128xi32, #tpu.memory_space<vmem>>
      %dma_wait3A_620 = arith.constant 0 : i32
      %dma_wait3A_621 = tpu.memref_slice %arg29[%dma_wait3A_620] : memref<1000000xf32, #tpu.memory_space<vmem_shared>> -> memref<1000000xf32, #tpu.memory_space<vmem_shared>>
      tpu.wait_indirect_dma semaphore(%arg31 : memref<!tpu.dma_semaphore, #tpu.memory_space<semaphore_mem>>) src(%dma_wait3A_621 : memref<1000000xf32, #tpu.memory_space<vmem_shared>>) dst(%dma_wait3A_617 : memref<128xf32, #tpu.memory_space<vmem>>)
      %dma_wait3A_622 = arith.constant 128 : i32
      %dma_wait3A_623 = tpu.memref_slice %arg25[%dma_wait3A_622] : memref<1024xf32, #tpu.memory_space<vmem>> -> memref<128xf32, #tpu.memory_space<vmem>>
      %dma_wait3A_624 = arith.constant 128 : i32
      %dma_wait3A_625 = tpu.memref_slice %arg18[%dma_wait3A_624] : memref<1024xi32, #tpu.memory_space<vmem>> -> memref<128xi32, #tpu.memory_space<vmem>>
      %dma_wait3A_626 = arith.constant 0 : i32
      %dma_wait3A_627 = tpu.memref_slice %arg29[%dma_wait3A_626] : memref<1000000xf32, #tpu.memory_space<vmem_shared>> -> memref<1000000xf32, #tpu.memory_space<vmem_shared>>
      tpu.wait_indirect_dma semaphore(%arg31 : memref<!tpu.dma_semaphore, #tpu.memory_space<semaphore_mem>>) src(%dma_wait3A_627 : memref<1000000xf32, #tpu.memory_space<vmem_shared>>) dst(%dma_wait3A_623 : memref<128xf32, #tpu.memory_space<vmem>>)
      %dma_wait3A_628 = arith.constant 256 : i32
      %dma_wait3A_629 = tpu.memref_slice %arg25[%dma_wait3A_628] : memref<1024xf32, #tpu.memory_space<vmem>> -> memref<128xf32, #tpu.memory_space<vmem>>
      %dma_wait3A_630 = arith.constant 256 : i32
      %dma_wait3A_631 = tpu.memref_slice %arg18[%dma_wait3A_630] : memref<1024xi32, #tpu.memory_space<vmem>> -> memref<128xi32, #tpu.memory_space<vmem>>
      %dma_wait3A_632 = arith.constant 0 : i32
      %dma_wait3A_633 = tpu.memref_slice %arg29[%dma_wait3A_632] : memref<1000000xf32, #tpu.memory_space<vmem_shared>> -> memref<1000000xf32, #tpu.memory_space<vmem_shared>>
      tpu.wait_indirect_dma semaphore(%arg31 : memref<!tpu.dma_semaphore, #tpu.memory_space<semaphore_mem>>) src(%dma_wait3A_633 : memref<1000000xf32, #tpu.memory_space<vmem_shared>>) dst(%dma_wait3A_629 : memref<128xf32, #tpu.memory_space<vmem>>)
      %dma_wait3A_634 = arith.constant 384 : i32
      %dma_wait3A_635 = tpu.memref_slice %arg25[%dma_wait3A_634] : memref<1024xf32, #tpu.memory_space<vmem>> -> memref<128xf32, #tpu.memory_space<vmem>>
      %dma_wait3A_636 = arith.constant 384 : i32
      %dma_wait3A_637 = tpu.memref_slice %arg18[%dma_wait3A_636] : memref<1024xi32, #tpu.memory_space<vmem>> -> memref<128xi32, #tpu.memory_space<vmem>>
      %dma_wait3A_638 = arith.constant 0 : i32
      %dma_wait3A_639 = tpu.memref_slice %arg29[%dma_wait3A_638] : memref<1000000xf32, #tpu.memory_space<vmem_shared>> -> memref<1000000xf32, #tpu.memory_space<vmem_shared>>
      tpu.wait_indirect_dma semaphore(%arg31 : memref<!tpu.dma_semaphore, #tpu.memory_space<semaphore_mem>>) src(%dma_wait3A_639 : memref<1000000xf32, #tpu.memory_space<vmem_shared>>) dst(%dma_wait3A_635 : memref<128xf32, #tpu.memory_space<vmem>>)
      %dma_wait3A_640 = arith.constant 512 : i32
      %dma_wait3A_641 = tpu.memref_slice %arg25[%dma_wait3A_640] : memref<1024xf32, #tpu.memory_space<vmem>> -> memref<128xf32, #tpu.memory_space<vmem>>
      %dma_wait3A_642 = arith.constant 512 : i32
      %dma_wait3A_643 = tpu.memref_slice %arg18[%dma_wait3A_642] : memref<1024xi32, #tpu.memory_space<vmem>> -> memref<128xi32, #tpu.memory_space<vmem>>
      %dma_wait3A_644 = arith.constant 0 : i32
      %dma_wait3A_645 = tpu.memref_slice %arg29[%dma_wait3A_644] : memref<1000000xf32, #tpu.memory_space<vmem_shared>> -> memref<1000000xf32, #tpu.memory_space<vmem_shared>>
      tpu.wait_indirect_dma semaphore(%arg31 : memref<!tpu.dma_semaphore, #tpu.memory_space<semaphore_mem>>) src(%dma_wait3A_645 : memref<1000000xf32, #tpu.memory_space<vmem_shared>>) dst(%dma_wait3A_641 : memref<128xf32, #tpu.memory_space<vmem>>)
      %dma_wait3A_646 = arith.constant 640 : i32
      %dma_wait3A_647 = tpu.memref_slice %arg25[%dma_wait3A_646] : memref<1024xf32, #tpu.memory_space<vmem>> -> memref<128xf32, #tpu.memory_space<vmem>>
      %dma_wait3A_648 = arith.constant 640 : i32
      %dma_wait3A_649 = tpu.memref_slice %arg18[%dma_wait3A_648] : memref<1024xi32, #tpu.memory_space<vmem>> -> memref<128xi32, #tpu.memory_space<vmem>>
      %dma_wait3A_650 = arith.constant 0 : i32
      %dma_wait3A_651 = tpu.memref_slice %arg29[%dma_wait3A_650] : memref<1000000xf32, #tpu.memory_space<vmem_shared>> -> memref<1000000xf32, #tpu.memory_space<vmem_shared>>
      tpu.wait_indirect_dma semaphore(%arg31 : memref<!tpu.dma_semaphore, #tpu.memory_space<semaphore_mem>>) src(%dma_wait3A_651 : memref<1000000xf32, #tpu.memory_space<vmem_shared>>) dst(%dma_wait3A_647 : memref<128xf32, #tpu.memory_space<vmem>>)
      %dma_wait3A_652 = arith.constant 768 : i32
      %dma_wait3A_653 = tpu.memref_slice %arg25[%dma_wait3A_652] : memref<1024xf32, #tpu.memory_space<vmem>> -> memref<128xf32, #tpu.memory_space<vmem>>
      %dma_wait3A_654 = arith.constant 768 : i32
      %dma_wait3A_655 = tpu.memref_slice %arg18[%dma_wait3A_654] : memref<1024xi32, #tpu.memory_space<vmem>> -> memref<128xi32, #tpu.memory_space<vmem>>
      %dma_wait3A_656 = arith.constant 0 : i32
      %dma_wait3A_657 = tpu.memref_slice %arg29[%dma_wait3A_656] : memref<1000000xf32, #tpu.memory_space<vmem_shared>> -> memref<1000000xf32, #tpu.memory_space<vmem_shared>>
      tpu.wait_indirect_dma semaphore(%arg31 : memref<!tpu.dma_semaphore, #tpu.memory_space<semaphore_mem>>) src(%dma_wait3A_657 : memref<1000000xf32, #tpu.memory_space<vmem_shared>>) dst(%dma_wait3A_653 : memref<128xf32, #tpu.memory_space<vmem>>)
      %dma_wait3A_658 = arith.constant 896 : i32
      %dma_wait3A_659 = tpu.memref_slice %arg25[%dma_wait3A_658] : memref<1024xf32, #tpu.memory_space<vmem>> -> memref<128xf32, #tpu.memory_space<vmem>>
      %dma_wait3A_660 = arith.constant 896 : i32
      %dma_wait3A_661 = tpu.memref_slice %arg18[%dma_wait3A_660] : memref<1024xi32, #tpu.memory_space<vmem>> -> memref<128xi32, #tpu.memory_space<vmem>>
      %dma_wait3A_662 = arith.constant 0 : i32
      %dma_wait3A_663 = tpu.memref_slice %arg29[%dma_wait3A_662] : memref<1000000xf32, #tpu.memory_space<vmem_shared>> -> memref<1000000xf32, #tpu.memory_space<vmem_shared>>
      tpu.wait_indirect_dma semaphore(%arg31 : memref<!tpu.dma_semaphore, #tpu.memory_space<semaphore_mem>>) src(%dma_wait3A_663 : memref<1000000xf32, #tpu.memory_space<vmem_shared>>) dst(%dma_wait3A_659 : memref<128xf32, #tpu.memory_space<vmem>>)
      %barrier3A_664 = arith.constant 0 : index
      tpu.barrier barrier_id(%barrier3A_664)
      %broadcast_in_dim3A = vector.broadcast %add3A : i32 to vector<16xi32>
      %scan3A_665 = arith.constant 0 : i32
      %scan3A_666 = arith.constant 0 : i32
      %scan3A_667 = arith.constant 64 : i32
      %scan3A_668 = arith.addi %scan3A_666, %scan3A_667 : i32
      %scan3A_669 = arith.constant 1 : i32
      %scan3A_670 = scf.for %scan3A_673 = %scan3A_666 to %scan3A_668 step %scan3A_669 iter_args(%scan3A_674 = %scan3A_665) -> (i32)  : i32 {
        %mul3A_675 = arith.constant 16 : i32
        %mul3A_676 = arith.muli %scan3A_673, %mul3A_675 : i32
        %get3A = arith.index_cast %mul3A_676 : i32 to index
        %get3A_677 = tpu.vector_load %arg19[%get3A] {strides = array<i32>} : memref<1024xi32, #tpu.memory_space<vmem>>, vector<16xi32>,
        %gather3A = tpu.vector_load_idx %arg26[%get3A_677, %broadcast_in_dim3A] : memref<366x64xf32, #tpu.memory_space<vmem>>[vector<16xi32>, vector<16xi32>], vector<16xf32>,
        %mul3A_678 = arith.mulf %gather3A, %gather3A : vector<16xf32>
        %mul3A_679 = arith.constant -1.98412701E-4 : f32
        %mul3A_680 = vector.broadcast %mul3A_679 : f32 to vector<16xf32>
        %mul3A_681 = arith.mulf %mul3A_678, %mul3A_680 : vector<16xf32>
        %add3A_682 = arith.constant 0.00833333377 : f32
        %add3A_683 = vector.broadcast %add3A_682 : f32 to vector<16xf32>
        %add3A_684 = arith.addf %add3A_683, %mul3A_681 : vector<16xf32>
        %mul3A_685 = arith.mulf %mul3A_678, %add3A_684 : vector<16xf32>
        %add3A_686 = arith.constant -0.166666672 : f32
        %add3A_687 = vector.broadcast %add3A_686 : f32 to vector<16xf32>
        %add3A_688 = arith.addf %add3A_687, %mul3A_685 : vector<16xf32>
        %mul3A_689 = arith.mulf %mul3A_678, %add3A_688 : vector<16xf32>
        %add3A_690 = arith.constant 1.000000e+00 : f32
        %add3A_691 = vector.broadcast %add3A_690 : f32 to vector<16xf32>
        %add3A_692 = arith.addf %add3A_691, %mul3A_689 : vector<16xf32>
        %mul3A_693 = arith.mulf %gather3A, %add3A_692 : vector<16xf32>
        %mul3A_694 = arith.constant 2.48015876E-5 : f32
        %mul3A_695 = vector.broadcast %mul3A_694 : f32 to vector<16xf32>
        %mul3A_696 = arith.mulf %mul3A_678, %mul3A_695 : vector<16xf32>
        %add3A_697 = arith.constant -0.00138888892 : f32
        %add3A_698 = vector.broadcast %add3A_697 : f32 to vector<16xf32>
        %add3A_699 = arith.addf %add3A_698, %mul3A_696 : vector<16xf32>
        %mul3A_700 = arith.mulf %mul3A_678, %add3A_699 : vector<16xf32>
        %add3A_701 = arith.constant 0.0416666679 : f32
        %add3A_702 = vector.broadcast %add3A_701 : f32 to vector<16xf32>
        %add3A_703 = arith.addf %add3A_702, %mul3A_700 : vector<16xf32>
        %mul3A_704 = arith.mulf %mul3A_678, %add3A_703 : vector<16xf32>
        %add3A_705 = arith.constant -5.000000e-01 : f32
        %add3A_706 = vector.broadcast %add3A_705 : f32 to vector<16xf32>
        %add3A_707 = arith.addf %add3A_706, %mul3A_704 : vector<16xf32>
        %mul3A_708 = arith.mulf %mul3A_678, %add3A_707 : vector<16xf32>
        %add3A_709 = arith.constant 1.000000e+00 : f32
        %add3A_710 = vector.broadcast %add3A_709 : f32 to vector<16xf32>
        %add3A_711 = arith.addf %add3A_710, %mul3A_708 : vector<16xf32>
        %get3A_712 = arith.index_cast %mul3A_676 : i32 to index
        %get3A_713 = tpu.vector_load %arg20[%get3A_712] {strides = array<i32>} : memref<1024xf32, #tpu.memory_space<vmem>>, vector<16xf32>,
        %get3A_714 = arith.index_cast %mul3A_676 : i32 to index
        %get3A_715 = tpu.vector_load %arg21[%get3A_714] {strides = array<i32>} : memref<1024xf32, #tpu.memory_space<vmem>>, vector<16xf32>,
        %get3A_716 = arith.index_cast %mul3A_676 : i32 to index
        %get3A_717 = tpu.vector_load %arg22[%get3A_716] {strides = array<i32>} : memref<1024xf32, #tpu.memory_space<vmem>>, vector<16xf32>,
        %get3A_718 = arith.index_cast %mul3A_676 : i32 to index
        %get3A_719 = tpu.vector_load %arg23[%get3A_718] {strides = array<i32>} : memref<1024xf32, #tpu.memory_space<vmem>>, vector<16xf32>,
        %sub3A = arith.subf %get3A_713, %get3A_717 : vector<16xf32>
        %mul3A_720 = arith.mulf %sub3A, %add3A_711 : vector<16xf32>
        %sub3A_721 = arith.subf %get3A_715, %get3A_719 : vector<16xf32>
        %mul3A_722 = arith.mulf %sub3A_721, %mul3A_693 : vector<16xf32>
        %sub3A_723 = arith.subf %mul3A_720, %mul3A_722 : vector<16xf32>
        %get3A_724 = arith.index_cast %mul3A_676 : i32 to index
        %get3A_725 = tpu.vector_load %arg24[%get3A_724] {strides = array<i32>} : memref<1024xf32, #tpu.memory_space<vmem>>, vector<16xf32>,
        %add3A_726 = arith.addf %sub3A_723, %get3A_725 : vector<16xf32>
        %add3A_727 = arith.addf %get3A_713, %get3A_717 : vector<16xf32>
        %mul3A_728 = arith.mulf %add3A_727, %mul3A_693 : vector<16xf32>
        %add3A_729 = arith.addf %get3A_715, %get3A_719 : vector<16xf32>
        %mul3A_730 = arith.mulf %add3A_729, %add3A_711 : vector<16xf32>
        %add3A_731 = arith.addf %mul3A_728, %mul3A_730 : vector<16xf32>
        %get3A_732 = arith.index_cast %mul3A_676 : i32 to index
        %get3A_733 = tpu.vector_load %arg25[%get3A_732] {strides = array<i32>} : memref<1024xf32, #tpu.memory_space<vmem>>, vector<16xf32>,
        %add3A_734 = arith.addf %add3A_731, %get3A_733 : vector<16xf32>
        %get3A_735 = arith.index_cast %mul3A_676 : i32 to index
        %get3A_736 = tpu.vector_load %arg27[%get3A_735] {strides = array<i32>} : memref<1024xf32, #tpu.memory_space<vmem>>, vector<16xf32>,
        %abs3A = math.absf %add3A_726 : vector<16xf32>
        %add3A_737 = arith.addf %get3A_736, %abs3A : vector<16xf32>
        %abs3A_738 = math.absf %add3A_734 : vector<16xf32>
        %add3A_739 = arith.addf %add3A_737, %abs3A_738 : vector<16xf32>
        %swap3A = arith.index_cast %mul3A_676 : i32 to index
        %swap3A_740 = tpu.vector_load %arg27[%swap3A] {strides = array<i32>} : memref<1024xf32, #tpu.memory_space<vmem>>, vector<16xf32>,
        tpu.vector_store %arg27[%swap3A], %add3A_739 {strides = array<i32>} : memref<1024xf32, #tpu.memory_space<vmem>>, vector<16xf32>,
        %scan3A_741 = arith.constant 0 : i32
        scf.yield %scan3A_741 : i32
      }
      %scan3A_671 = arith.constant 64 : i32
      %scan3A_672 = arith.constant 0 : i32
      scf.yield %scan3A_672 : i32
    }
    %scan3A_27 = arith.constant 32 : i32
    "tpu.region"() ({
      %run_scoped3A = tpu.sem_alloc : memref<!tpu.dma_semaphore, #tpu.memory_space<semaphore_mem>>
      %dma_start3A = tpu.memref_slice %arg15[%arg0, %mul3A_0] : memref<2x16384xf32, #tpu.memory_space<hbm>> -> memref<1x1024xf32, #tpu.memory_space<hbm>>
      %dma_start3A_28 = tpu.memref_squeeze %dma_start3A : memref<1x1024xf32, #tpu.memory_space<hbm>> -> memref<1024xf32, #tpu.memory_space<hbm>>
      %dma_start3A_29 = tpu.memref_slice %arg15[%arg0, %mul3A_0] : memref<2x16384xf32, #tpu.memory_space<hbm>> -> memref<1x1024xf32, #tpu.memory_space<hbm>>
      %dma_start3A_30 = tpu.memref_squeeze %dma_start3A_29 : memref<1x1024xf32, #tpu.memory_space<hbm>> -> memref<1024xf32, #tpu.memory_space<hbm>>
      tpu.enqueue_dma source(%arg27 : memref<1024xf32, #tpu.memory_space<vmem>>) target(%dma_start3A_30 : memref<1024xf32, #tpu.memory_space<hbm>>) target_semaphore(%run_scoped3A : memref<!tpu.dma_semaphore, #tpu.memory_space<semaphore_mem>>)
      %dma_wait3A = tpu.memref_slice %arg15[%arg0, %mul3A_0] : memref<2x16384xf32, #tpu.memory_space<hbm>> -> memref<1x1024xf32, #tpu.memory_space<hbm>>
      %dma_wait3A_31 = tpu.memref_squeeze %dma_wait3A : memref<1x1024xf32, #tpu.memory_space<hbm>> -> memref<1024xf32, #tpu.memory_space<hbm>>
      %dma_wait3A_32 = tpu.memref_slice %arg15[%arg0, %mul3A_0] : memref<2x16384xf32, #tpu.memory_space<hbm>> -> memref<1x1024xf32, #tpu.memory_space<hbm>>
      %dma_wait3A_33 = tpu.memref_squeeze %dma_wait3A_32 : memref<1x1024xf32, #tpu.memory_space<hbm>> -> memref<1024xf32, #tpu.memory_space<hbm>>
      tpu.wait_dma2 semaphore(%run_scoped3A : memref<!tpu.dma_semaphore, #tpu.memory_space<semaphore_mem>>) src(%arg27 : memref<1024xf32, #tpu.memory_space<vmem>>) dst(%dma_wait3A_33 : memref<1024xf32, #tpu.memory_space<hbm>>)
      tpu.yield
    }) : () -> ()
    return
  }
}

</mosaic_0001>

<sc_bundles>
// kernel: kernel.3.cloned.1.call-start
scs
__scs_entry_jumppad:
0x0: {  	(pc) =	sbr.rel $0x88, $3  }
0x1: {  	(tag) =	ssettag $0x0;
	lr =	simm.s32 $0x1  }
0x2: {  	[smem:$0x3F9B] =	sst lr;
	_ =	strace $0xD0000000  }
0x3: {  	_ = 	snop  }
0x4: {  	_ = 	snop  }
0x5: {  	_ = 	snop  }
0x6: {  	_ = 	snop  }
0x7: {  	_ = 	snop  }
__scs_overlays_trampoline_lowered:
0x8: {  	[smem:$0x3FAA] =	sst s0  }
0x9: {  	[smem:$0x3FAB] =	sst s1  }
0xa: {  	[smem:$0x3FAC] =	sst s2  }
0xb: {  	[smem:$0x3FAD] =	sst s3  }
0xc: {  	[smem:$0x3FAE] =	sst s4  }
0xd: {  	[smem:$0x3FAF] =	sst s5  }
0xe: {  	[smem:$0x3FB0] =	sst s6  }
0xf: {  	[smem:$0x3FB1] =	sst s7  }
0x10: {  	[smem:$0x3FB2] =	sst s8  }
0x11: {  	[smem:$0x3FB3] =	sst s9;
	s0 =	simm.s32 @!p0 $0x0  }
0x12: {  	s1 =	sld [smem:$0x3F99];
	s0 =	simm.s32 @p0 $0x1  }
0x13: {  	[smem:$0x3FB4] =	sst s0;
	s0 =	simm.s32 @!p1 $0x0  }
0x14: {  	s2 =	sld [smem:$0x3F98];
	s0 =	simm.s32 @p1 $0x1  }
0x15: {  	[smem:$0x3FB5] =	sst s0;
	s0 =	simm.s32 @!p2 $0x0  }
0x16: {  	s3 =	sld [smem:$0x3FDB];
	s0 =	simm.s32 @p2 $0x1  }
0x17: {  	s4 =	simm.s32 $0x1BF5;
	[smem:$0x3FB7] =	sst s0  }
0x18: {  	s0 =	sld [smem:$0x3F9A];
	_ =	swait.ge [sflag:s4], $0x0  }
0x19: {  	s7 =	sld [smem:$0x3F9B]  }
0x1a: {  	s8 =	sadd.s32 $0xFFFFE003, lr  }
0x1b: {  	s9 =	sadd.s32 $0xFFFFFEF7, lr;
	s5 =	simm.s32 $0xFFFFFFFF;
	p2 =	slt.u32 s8, $0xFFFFF086  }
0x1c: {  	p1 =	slt.u32 s9, $0xF7A;
	s5 =	simm.s32 @!p2 $0x0  }
0x1d: {  	s5 =	simm.s32 @p1 $0x1;
	p0 =	seq.s32 s7, s2  }
0x1e: {  	s7 =	smul.u32 @!p0 $0xF7A, s2;
	p2 =	seq.s32 @!p0 s5, $0x0  }
0x1f: {  	s9 =	smul.u32 $0xF7A, s1;
	s8 =	simm.s32 @!p0 $0x1BF5;
	p2 =	por !p2, p0  }
0x20: {  	[sflag:s8] =	ssyncset.s32 @!p0 $0xFFFFF086;
	s6 =	sadd.s32 @!p0 s3, s7;
	s7 =	simm.s32 @!p0 $0x108  }
0x21: {  	s3 =	sadd.s32 s3, s9;
	s6 =	sadd.s32 @!p0 $0x88, s6;
	s7 =	simm.s32 @p2 $0x1082  }
0x22: {  	[simem:s7], [sflag:s8] =	dma.local @!p0 [hbm:s6], $0xF7A  }
0x23: {  	s9 =	sor.u32 $0xD0000000, s2;
	s6 =	simm.s32 $0x108;
	_ =	swait.ge @!p0 [sflag:s8], $0x0  }
0x24: {  	s3 =	sadd.s32 $0x88, s3;
	s6 =	simm.s32 @!p1 $0x1082;
	[sflag:s4] =	ssyncset.s32 $0xFFFFF086  }
0x25: {  	[simem:s6], [sflag:s4] =	dma.local [hbm:s3], $0xF7A  }
0x26: {  	[smem:$0x3F9B] =	sst s1;
	(tag) =	ssettag s2;
	_ =	strace s9  }
0x27: {  	s1 =	sld [smem:$0x3FAB]  }
0x28: {  	s2 =	sld [smem:$0x3FAC]  }
0x29: {  	s4 =	sld [smem:$0x3FAE]  }
0x2a: {  	p0 =	seq.s32 s5, $0x0;
	s5 =	sld [smem:$0x3FAF]  }
0x2b: {  	s6 =	sld [smem:$0x3FB0]  }
0x2c: {  	s7 =	sld [smem:$0x3FB1]  }
0x2d: {  	s3 =	simm.s32 $0x108;
	s8 =	sld [smem:$0x3FB2]  }
0x2e: {  	s3 =	simm.s32 @!p0 $0x1082;
	s9 =	sld [smem:$0x3FB3]  }
0x2f: {  	lr =	sadd.s32 s0, s3;
	s0 =	sld [smem:$0x3FAA]  }
0x30: {  	s3 =	sld [smem:$0x3FAD]  }
0x31: {  	[smem:$0x3FB6] =	sst s10  }
0x32: {  	s10 =	sld [smem:$0x3FB4];
	_ =	sdelay $0x3  }
0x33: {  	p0 =	seq.s32 s10, $0x1;
	s10 =	sld [smem:$0x3FB6];
	_ =	sdelay $0x3  }
0x34: {  	[smem:$0x3FB6] =	sst s10  }
0x35: {  	s10 =	sld [smem:$0x3FB5];
	_ =	sdelay $0x3  }
0x36: {  	p1 =	seq.s32 s10, $0x1;
	s10 =	sld [smem:$0x3FB6];
	_ =	sdelay $0x3  }
0x37: {  	[smem:$0x3FB6] =	sst s10  }
0x38: {  	s10 =	sld [smem:$0x3FB7]  }
0x39: {  	_ = 	snop;
	(pc) =	sbr.ind lr, $3  }
0x3a: {  	_ = 	snop  }
0x3b: {  	_ = 	snop  }
0x3c: {  	p2 =	seq.s32 s10, $0x1;
	s10 =	sld [smem:$0x3FB6]  }
0x3d: {  	_ =	shalt  }
0x3e: {  	_ =	shalt  }
0x3f: {  	_ =	shalt  }
0x40: {  	_ =	shalt  }
0x41: {  	_ =	shalt  }
0x42: {  	_ =	shalt  }
0x43: {  	_ =	shalt  }
0x44: {  	_ =	shalt  }
0x45: {  	_ =	shalt  }
0x46: {  	_ =	shalt  }
0x47: {  	_ =	shalt  }
0x48: {  	_ =	shalt  }
0x49: {  	_ =	shalt  }
0x4a: {  	_ =	shalt  }
0x4b: {  	_ =	shalt  }
0x4c: {  	_ =	shalt  }
0x4d: {  	_ =	shalt  }
0x4e: {  	_ =	shalt  }
0x4f: {  	_ =	shalt  }
0x50: {  	_ =	shalt  }
0x51: {  	_ =	shalt  }
0x52: {  	_ =	shalt  }
0x53: {  	_ =	shalt  }
0x54: {  	_ =	shalt  }
0x55: {  	_ =	shalt  }
0x56: {  	_ =	shalt  }
0x57: {  	_ =	shalt  }
0x58: {  	_ =	shalt  }
0x59: {  	_ =	shalt  }
0x5a: {  	_ =	shalt  }
0x5b: {  	_ =	shalt  }
0x5c: {  	_ =	shalt  }
0x5d: {  	_ =	shalt  }
0x5e: {  	_ =	shalt  }
0x5f: {  	_ =	shalt  }
0x60: {  	_ =	shalt  }
0x61: {  	_ =	shalt  }
0x62: {  	_ =	shalt  }
0x63: {  	_ =	shalt  }
0x64: {  	_ =	shalt  }
0x65: {  	_ =	shalt  }
0x66: {  	_ =	shalt  }
0x67: {  	_ =	shalt  }
0x68: {  	_ =	shalt  }
0x69: {  	_ =	shalt  }
0x6a: {  	_ =	shalt  }
0x6b: {  	_ =	shalt  }
0x6c: {  	_ =	shalt  }
0x6d: {  	_ =	shalt  }
0x6e: {  	_ =	shalt  }
0x6f: {  	_ =	shalt  }
0x70: {  	_ =	shalt  }
0x71: {  	_ =	shalt  }
0x72: {  	_ =	shalt  }
0x73: {  	_ =	shalt  }
0x74: {  	_ =	shalt  }
0x75: {  	_ =	shalt  }
0x76: {  	_ =	shalt  }
0x77: {  	_ =	shalt  }
0x78: {  	_ =	shalt  }
0x79: {  	_ =	shalt  }
0x7a: {  	_ =	shalt  }
0x7b: {  	_ =	shalt  }
0x7c: {  	_ =	shalt  }
0x7d: {  	_ =	shalt  }
0x7e: {  	_ =	shalt  }
0x7f: {  	_ =	shalt  }
0x80: {  	_ =	shalt  }
0x81: {  	_ =	shalt  }
0x82: {  	_ =	shalt  }
0x83: {  	_ =	shalt  }
0x84: {  	_ =	shalt  }
0x85: {  	_ =	shalt  }
0x86: {  	_ =	shalt  }
0x87: {  	_ =	shalt  }
.Lfunc_end0:
.L_simem_size_0:
called_computation_lowered:
.L_overlay_start_0:
0x88: {  	s2 =	sld [smem:$0x3FD9]  }
0x89: {  	s3 =	sld [smem:$0x3FFE];
	_ =	sdelay $0x1  }
0x8a: {  	s1 =	srdreg.scid  }
0x8b: {  	s0 =	sand.u32 $0x1, s1  }
0x8c: {  	s17 =	sshll.u32 s0, $0xA;
	s2 =	sadd.s32 s3, s2  }
0x8d: {  	s2 =	sadd.s32 s2, s17  }
0x8e: {  	[smem:$0x3FC2] =	sst s2  }
0x8f: {  	_ = 	snop  }
0x90: {  	s2 =	sld [smem:$0x3FC8]  }
0x91: {  	s18 =	sld [smem:$0x3FC7]  }
0x92: {  	s4 =	sld [smem:$0x3FC6]  }
0x93: {  	s5 =	sld [smem:$0x3FC5]  }
0x94: {  	s6 =	sld [smem:$0x3FD0];
	(tm) =	ssettm $0x1  }
0x95: {  	s7 =	sld [smem:$0x3FFB];
	_ =	sdelay $0x3  }
0x96: {  	_ =	strace s7  }
0x97: {  	s7 =	sld [smem:$0x3FFC];
	_ =	sdelay $0x3  }
0x98: {  	_ =	strace s7  }
0x99: {  	s7 =	sld [smem:$0x3FFD];
	_ =	sdelay $0x3  }
0x9a: {  	_ =	strace s7  }
0x9b: {  	_ =	strace $0x8FFFFFFF  }
0x9c: {  	s19 =	sld [smem:$0x3FDB];
	_ =	sdelay $0x1  }
0x9d: {  	s8 =	simm.s32 $_scs_section_size  }
0x9e: {  	s9 =	simm.s32 $_size__tile_overlayer_lowered;
	s10 =	simm.s32 $_tile_overlayer_lowered  }
0x9f: {  	s22 =	simm.s32 $0x1BFF;
	s21 =	sshll.u32 s10, $0x1;
	s7 =	sadd.s32 s8, s19  }
0xa0: {  	s11 =	simm.s32 $0x0;
	s20 =	sshll.u32 s9, $0x1;
	s9 =	sadd.s32 s21, s7  }
0xa1: {  	[timem:s11], [sflag:s22] =	dma.local [hbm:s9], s20  }
0xa2: {  	_ =	swait.ge [sflag:s22], s20  }
0xa3: {  	s8 =	ssub.s32 $0x0, s20;
	[sflag:s22] =	ssyncset.done $0x0  }
0xa4: {  	[sflag:s22] =	ssyncadd.s32 s8;
	_ =	sdelay $0x1  }
0xa5: {  	s23 =	simm.s32 $0x1B8B  }
0xa6: {  	_ =	swait.ge [sflag:s23], $0x1  }
0xa7: {  	[sflag:s23] =	ssyncset.done $0x0  }
0xa8: {  	s25 =	simm.s32 $0x1B8E;
	s24 =	sld [smem:$0x3FFE];
	[sflag:s23] =	ssyncadd.s32 $0xFFFFFFFF  }
0xa9: {  	s26 =	simm.s32 $execute0_lowered;
	[smem:$0x3FD2] =	sst s25  }
0xaa: {  	s9 =	sshll.u32 s26, $0x1;
	_ =	strace $0x80000046;
	[dreg:$0x1] =	wrdreg $0xFFFFFFFF  }
0xab: {  	s28 =	simm.s32 $_size_execute0_lowered;
	s7 =	sadd.s32 s7, s9;
	[dreg:$0x0] =	wrdreg $0x0  }
0xac: {  	s9 =	sshll.u32 s28, $0x1;
	[dreg:$0x2] =	wrdreg s7  }
0xad: {  	[dreg:$0x3] =	wrdreg s9  }
0xae: {  	[dreg:$0x4] =	wrdreg $0xC0  }
0xaf: {  	_ =	task [dreg:s11], $0x5FFFF  }
0xb0: {  	[dreg:$0x1] =	wrdreg $0xFFFFFFFF  }
0xb1: {  	[dreg:$0x0] =	wrdreg $0x60  }
0xb2: {  	[dreg:$0x2] =	wrdreg s24  }
0xb3: {  	[dreg:$0x3] =	wrdreg s6  }
0xb4: {  	[dreg:$0x4] =	wrdreg s2  }
0xb5: {  	[dreg:$0x5] =	wrdreg s18  }
0xb6: {  	[dreg:$0x6] =	wrdreg s4  }
0xb7: {  	[dreg:$0x7] =	wrdreg s5  }
0xb8: {  	[dreg:$0x8] =	wrdreg $0xE6800  }
0xb9: {  	[dreg:$0x9] =	wrdreg $0x9  }
0xba: {  	_ =	task.clear_ibuf [dreg:s11], $0xAFFFF;
	_ =	strace $0x90000046  }
0xbb: {  	s29 =	simm.s32 $0x9;
	_ =	strace $0x80000048  }
0xbc: {  	_ =	swait.ge [sflag:s29], $0x1  }
0xbd: {  	[sflag:s29] =	ssyncadd.s32 $0xFFFFFFFF  }
0xbe: {  	_ =	strace $0x90000048  }
0xbf: {  	_ =	sfence  }
0xc0: {  	s30 =	sld [smem:$0x0];
	_ =	sdelay $0x2  }
0xc1: {  	s31 =	sshll.u32 s1, $0xD;
	s1 =	sshrl.u32 s1, $0x2  }
0xc2: {  	s3 =	sand.u32 $0x4000, s31;
	s1 =	sadd.s32 s1, s30  }
0xc3: {  	s0 =	sor.u32 s3, s0;
	s1 =	sshll.u32 s1, $0x11  }
0xc4: {  	s0 =	sor.u32 s1, s0  }
0xc5: {  	s0 =	sadd.s32 $0x8F2B, s0  }
0xc6: {  	[sflag:s0] =	ssyncadd.remote.s32 $0x1  }
0xc7: {  	_ =	sfence.sel $0xFFFF  }
0xc8: {  	[dreg:$0x0] =	wrdreg $0xFFFFFFFF;
	(pc) =	sbr.abs _section_cstart, $3  }
0xc9: {  	[dreg:$0x1] =	wrdreg $0xFFFFFFFF  }
0xca: {  	_ =	task.clear_ibuf [dreg:s11], $0x2FFFF;
	_ =	strace $0x9FFFFFFF  }
0xcb: {  	(tm) =	ssettm $0x7FFFFFFF  }
tec
execute0_lowered:
.L_overlay_start_1:
0x0: {  	(tag) =	ssettag $0x1  }
0x1: {  	s0 =	rddreg [dreg:$0x0]  }
0x2: {  	s1 =	rddreg [dreg:$0x1]  }
0x3: {  	s6 =	rddreg [dreg:$0x6];
	s7 =	simm.s32 $0x0;
	s10 =	stileid.u32  }
0x4: {  	s4 =	srdreg.scid;
	s28 =	simm.s32 $0x1;
	s30 =	simm.s32 $0x80  }
0x5: {  	s31 =	simm.s32 $0x2;
	s29 =	simm.s32 $0x780;
	[smem:$0x7FF] =	sst s7  }
0x6: {  	s2 =	sshll.u32 s10, $0x7;
	s5 =	sadd.s32 $0x600, s0;
	s15 =	sadd.s32 $0x1800, s0  }
0x7: {  	s4 =	sand.u32 $0x1, s4;
	s16 =	sadd.s32 $0x2A00, s0;
	s17 =	sadd.s32 $0x3C00, s0  }
0x8: {  	s14 =	sadd.s32 $0x4E00, s0;
	_ =	strace $0x80000047;
	[dreg:$0x8] =	wrdreg s5  }
0x9: {  	s19 =	smul.u32 $0x3D000, s10;
	s20 =	sshll.u32 s10, $0x8;
	[dreg:$0x9] =	wrdreg s15  }
0xa: {  	s24 =	smul.u32 $0x7A000, s10;
	s25 =	sadd.s32 $0xF4000, s6;
	[dreg:$0xa] =	wrdreg s16  }
0xb: {  	p0 =	sne.s32 s10, $0xF;
	s3 =	sadd.s32 s2, s0;
	[dreg:$0xb] =	wrdreg s17  }
0xc: {  	v0 =	vimm.f32 $2.740000000e+03;
	s18 =	ssub.s32 $0x2, s4;
	s8 =	sshll.u32 s4, $0x4;
	[dreg:$0x16] =	wrdreg s25  }
0xd: {  	s1 =	sadd.s32 s1, s2;
	s23 =	sshll.u32 s4, $0x5;
	[dreg:$0xc] =	wrdreg s14;
	(erf) = vrcp.f32 v0  }
0xe: {  	s4 =	simm.s32 $0x800;
	s2 =	simm.s32 $0x0;
	[dreg:$0x10] =	wrdreg s1  }
0xf: {  	s9 =	sshrl.u32 s18, $0x1;
	s0 =	sadd.s32 s8, s0;
	[dreg:$0x11] =	wrdreg s23  }
0x10: {  	s11 =	sadd.s32 $0x7600, s3;
	s21 =	sadd.s32 $0x6E00, s3;
	[dreg:$0x13] =	wrdreg s24  }
0x11: {  	s3 =	sadd.s32 $0x6600, s3;
	s22 =	sshrl.u32 s19, $0x2;
	[dreg:$0xd] =	wrdreg s11  }
0x12: {  	s19 =	simm.s32 $0x2800;
	s23 =	simm.s32 $0x0;
	[dreg:$0xe] =	wrdreg s21  }
0x13: {  	[dreg:$0xf] =	wrdreg s3;
	s1 =	sadd.s32 s22, s6;
	s0 =	sadd.s32 s20, s0  }
0x14: {  	s5 =	ssub.s32 s18, s9;
	[dreg:$0x12] =	wrdreg s1;
	s0 =	sadd.s32 $0x7E00, s0  }
0x15: {  	s3 =	simm.s32 $0x3;
	s26 =	smax.u32 s5, $0x1;
	[dreg:$0x14] =	wrdreg s0  }
0x16: {  	v1 =	vimm.f32 $0.0e+00;
	s21 =	simm.s32 $0x280;
	s1 =	simm.s32 $0x400;
	[dreg:$0x15] =	wrdreg s26;
	v0 =	vpop (erf)  }
.LBB2_1:
0x17: {  	[dreg:$0x17] =	wrdreg s2  }
0x18: {  	s0 =	rddreg [dreg:$0xd]  }
0x19: {  	[tilespmem:s7], [sflag:$0x3] =	stream.linear.gather [hbm4b:s0+s7], $0x400, $0x38;
	[tilespmem:$0x1DAA8] =	vst v63  }
0x1a: {  	_ =	swait.ge [sflag:s3], $0x400  }
0x1b: {  	[sflag:s3] =	ssyncset.done $0x0  }
0x1c: {  	s22 =	rddreg [dreg:$0xe];
	[sflag:s3] =	ssyncadd.s32 $0xFFFFFC00  }
0x1d: {  	[tilespmem:s1], [sflag:$0x3] =	stream.linear.gather [hbm4b:s22+s7], $0x400, $0x38;
	[tilespmem:$0x1DAA8] =	vst v63  }
0x1e: {  	_ =	swait.ge [sflag:s3], $0x400  }
0x1f: {  	[sflag:s3] =	ssyncset.done $0x0  }
0x20: {  	s24 =	rddreg [dreg:$0xf];
	[sflag:s3] =	ssyncadd.s32 $0xFFFFFC00  }
0x21: {  	[tilespmem:s4], [sflag:$0x3] =	stream.linear.gather [hbm4b:s24+s7], $0x400, $0x38;
	[tilespmem:$0x1DAA8] =	vst v63  }
0x22: {  	_ =	swait.ge [sflag:s3], $0x400  }
0x23: {  	[sflag:s3] =	ssyncset.done $0x0  }
0x24: {  	s26 =	simm.s32 $0xC00;
	s25 =	rddreg [dreg:$0x10];
	[sflag:s3] =	ssyncadd.s32 $0xFFFFFC00  }
0x25: {  	[tilespmem:s26], [sflag:$0x3] =	stream.linear.gather [hbm4b:s25+s7], $0x400, $0x38;
	[tilespmem:$0x1DAA8] =	vst v63  }
0x26: {  	_ =	swait.ge [sflag:s3], $0x400  }
0x27: {  	[sflag:s3] =	ssyncset.done $0x0  }
0x28: {  	s2 =	simm.s32 $0x0;
	s0 =	simm.s32 $0x2800;
	[sflag:s3] =	ssyncadd.s32 $0xFFFFFC00  }
.LBB2_2:
0x29: {  	p1 =	sne.s32 s2, $0x16D0  }
.Ltmp0:
0x2a: {  	s5 =	sadd.s32 s2, s14;
	(pc) =	sbr.rel @p1 .LBB2_2-.Ltmp0, $4  }
0x2b: {  	[tilespmem:s0], [sflag:$0x3] =	stream.linear.gather [hbm4b:s5+s7], $0x80, $0x38;
	[tilespmem:$0x1DAA8] =	vst v63  }
0x2c: {  	_ =	swait.ge [sflag:s3], $0x80  }
0x2d: {  	[sflag:s3] =	ssyncset.done $0x0  }
0x2e: {  	s2 =	sadd.s32 $0x10, s2;
	s0 =	sadd.s32 $0x80, s0;
	[sflag:s3] =	ssyncadd.s32 $0xFFFFFF80  }
0x2f: {  	s0 =	simm.s32 $0xC20  }
0x30: {  	v2 =	vld [tilespmem:s0+$0xFFFFFFE0]  }
0x31: {  	v3 =	vld [tilespmem:s0+$0x0]  }
0x32: {  	v4 =	vld [tilespmem:s0+$0x10]  }
0x33: {  	v5 =	vld [tilespmem:s0+$0xFFFFFFF0];
	_ =	sdelay $0x1  }
0x34: {  	v2 =	vcvt.s32.f32 v2  }
0x35: {  	v3 =	vcvt.s32.f32 v3  }
0x36: {  	v4 =	vcvt.s32.f32 v4;
	v2 =	vmul.f32 v2, v0  }
0x37: {  	v5 =	vcvt.s32.f32 v5;
	v3 =	vmul.f32 v3, v0  }
0x38: {  	v4 =	vmul.f32 v4, v0;
	v2 =	vtrunc.f32 v2  }
0x39: {  	v6 =	vcvt.f32.s32 v2;
	v2 =	vtrunc.f32 v3  }
0x3a: {  	v3 =	vtrunc.f32 v4;
	v2 =	vcvt.f32.s32 v2  }
0x3b: {  	s2 =	simm.s32 $0x0;
	s5 =	simm.s32 $0xC60;
	v4 =	vmul.f32 v5, v0;
	v3 =	vcvt.f32.s32 v3;
	[tilespmem:s0+$0xFFFFFFE0] =	vst v6  }
.LBB2_4:
0x3c: {  	v5 =	vld [tilespmem:s5+$0xFFFFFFE0];
	[tilespmem:s0+$0x0] =	vst v2  }
0x3d: {  	v2 =	vld [tilespmem:s5+$0x0];
	v4 =	vtrunc.f32 v4;
	[tilespmem:s0+$0x10] =	vst v3  }
0x3e: {  	s2 =	sadd.s32 $0x4, s2;
	v3 =	vld [tilespmem:s5+$0x10];
	v4 =	vcvt.f32.s32 v4  }
0x3f: {  	p1 =	slt.u32 s2, $0x3C;
	v6 =	vld [tilespmem:s5+$0xFFFFFFF0]  }
0x40: {  	[tilespmem:s0+$0xFFFFFFF0] =	vst v4;
	s0 =	smov.u32 s5  }
0x41: {  	v4 =	vcvt.s32.f32 v5  }
0x42: {  	v2 =	vcvt.s32.f32 v2  }
0x43: {  	v4 =	vmul.f32 v4, v0;
	v3 =	vcvt.s32.f32 v3  }
.Ltmp1:
0x44: {  	v5 =	vcvt.s32.f32 v6;
	v2 =	vmul.f32 v2, v0;
	(pc) =	sbr.rel @p1 .LBB2_4-.Ltmp1, $4  }
0x45: {  	v4 =	vtrunc.f32 v4;
	v3 =	vmul.f32 v3, v0  }
0x46: {  	v4 =	vcvt.f32.s32 v4;
	v2 =	vtrunc.f32 v2  }
0x47: {  	v2 =	vcvt.f32.s32 v2;
	v3 =	vtrunc.f32 v3  }
0x48: {  	s5 =	sadd.s32 $0x40, s5;
	[tilespmem:s0+$0xFFFFFFE0] =	vst v4;
	v4 =	vmul.f32 v5, v0;
	v3 =	vcvt.f32.s32 v3  }
0x49: {  	_ = 	snop  }
0x4a: {  	v4 =	vtrunc.f32 v4  }
0x4b: {  	[tilespmem:s0+$0x0] =	vst v2;
	v2 =	vcvt.f32.s32 v4  }
0x4c: {  	[tilespmem:s0+$0x10] =	vst v3  }
0x4d: {  	[tilespmem:s0+$0xFFFFFFF0] =	vst v2  }
0x4e: {  	[tilespmem:$0xE000] =	vst v1  }
0x4f: {  	[tilespmem:$0xE010] =	vst v1  }
0x50: {  	[tilespmem:$0xE020] =	vst v1  }
0x51: {  	[tilespmem:$0xE030] =	vst v1  }
0x52: {  	[tilespmem:$0xE040] =	vst v1  }
0x53: {  	[tilespmem:$0xE050] =	vst v1  }
0x54: {  	[tilespmem:$0xE060] =	vst v1  }
0x55: {  	[tilespmem:$0xE070] =	vst v1  }
0x56: {  	[tilespmem:$0xE080] =	vst v1  }
0x57: {  	[tilespmem:$0xE090] =	vst v1  }
0x58: {  	[tilespmem:$0xE0A0] =	vst v1  }
0x59: {  	[tilespmem:$0xE0B0] =	vst v1  }
0x5a: {  	[tilespmem:$0xE0C0] =	vst v1  }
0x5b: {  	[tilespmem:$0xE0D0] =	vst v1  }
0x5c: {  	[tilespmem:$0xE0E0] =	vst v1  }
0x5d: {  	[tilespmem:$0xE0F0] =	vst v1  }
0x5e: {  	[tilespmem:$0xE100] =	vst v1  }
0x5f: {  	[tilespmem:$0xE110] =	vst v1  }
0x60: {  	[tilespmem:$0xE120] =	vst v1  }
0x61: {  	[tilespmem:$0xE130] =	vst v1  }
0x62: {  	[tilespmem:$0xE140] =	vst v1  }
0x63: {  	[tilespmem:$0xE150] =	vst v1  }
0x64: {  	[tilespmem:$0xE160] =	vst v1  }
0x65: {  	[tilespmem:$0xE170] =	vst v1  }
0x66: {  	[tilespmem:$0xE180] =	vst v1  }
0x67: {  	[tilespmem:$0xE190] =	vst v1  }
0x68: {  	[tilespmem:$0xE1A0] =	vst v1  }
0x69: {  	[tilespmem:$0xE1B0] =	vst v1  }
0x6a: {  	[tilespmem:$0xE1C0] =	vst v1  }
0x6b: {  	[tilespmem:$0xE1D0] =	vst v1  }
0x6c: {  	[tilespmem:$0xE1E0] =	vst v1  }
0x6d: {  	[tilespmem:$0xE1F0] =	vst v1  }
0x6e: {  	[tilespmem:$0xE200] =	vst v1  }
0x6f: {  	[tilespmem:$0xE210] =	vst v1  }
0x70: {  	[tilespmem:$0xE220] =	vst v1  }
0x71: {  	[tilespmem:$0xE230] =	vst v1  }
0x72: {  	[tilespmem:$0xE240] =	vst v1  }
0x73: {  	[tilespmem:$0xE250] =	vst v1  }
0x74: {  	[tilespmem:$0xE260] =	vst v1  }
0x75: {  	[tilespmem:$0xE270] =	vst v1  }
0x76: {  	[tilespmem:$0xE280] =	vst v1  }
0x77: {  	[tilespmem:$0xE290] =	vst v1  }
0x78: {  	[tilespmem:$0xE2A0] =	vst v1  }
0x79: {  	[tilespmem:$0xE2B0] =	vst v1  }
0x7a: {  	[tilespmem:$0xE2C0] =	vst v1  }
0x7b: {  	[tilespmem:$0xE2D0] =	vst v1  }
0x7c: {  	[tilespmem:$0xE2E0] =	vst v1  }
0x7d: {  	[tilespmem:$0xE2F0] =	vst v1  }
0x7e: {  	[tilespmem:$0xE300] =	vst v1  }
0x7f: {  	[tilespmem:$0xE310] =	vst v1  }
0x80: {  	[tilespmem:$0xE320] =	vst v1  }
0x81: {  	[tilespmem:$0xE330] =	vst v1  }
0x82: {  	[tilespmem:$0xE340] =	vst v1  }
0x83: {  	[tilespmem:$0xE350] =	vst v1  }
0x84: {  	[tilespmem:$0xE360] =	vst v1  }
0x85: {  	[tilespmem:$0xE370] =	vst v1  }
0x86: {  	[tilespmem:$0xE380] =	vst v1  }
0x87: {  	[tilespmem:$0xE390] =	vst v1  }
0x88: {  	[tilespmem:$0xE3A0] =	vst v1  }
0x89: {  	[tilespmem:$0xE3B0] =	vst v1  }
0x8a: {  	[tilespmem:$0xE3C0] =	vst v1  }
0x8b: {  	[tilespmem:$0xE3D0] =	vst v1  }
0x8c: {  	[tilespmem:$0xE3E0] =	vst v1  }
0x8d: {  	s14 =	simm.s32 $0x0;
	[tilespmem:$0xE3F0] =	vst v1  }
.LBB2_6:
0x8e: {  	s0 =	rddreg [dreg:$0x11]  }
0x8f: {  	s24 =	sadd.s32 s0, s14  }
0x90: {  	s0 =	sshrl.u32 s24, $0x3  }
0x91: {  	s5 =	rddreg [dreg:$0x13];
	s0 =	smul.u32 $0x7A1400, s0  }
0x92: {  	s2 =	sshll.u32 s14, $0x7;
	s22 =	rddreg [dreg:$0x2]  }
0x93: {  	s1 =	rddreg [dreg:$0x12];
	s2 =	sand.u32 $0x380, s2;
	s0 =	sadd.s32 s5, s0  }
0x94: {  	s26 =	stileid.u32;
	s5 =	sshrl.u32 s1, $0x3;
	s0 =	sor.u32 s2, s0  }
0x95: {  	s1 =	simm.s32 $0x10;
	s2 =	sshll.u32 s26, $0x6;
	s25 =	sshrl.u32 s0, $0x3  }
0x96: {  	s26 =	smul.u32 @!p0 $0x48, s24;
	s0 =	sadd.s32 s22, s25;
	s22 =	sor.u32 $0x1C01, s2  }
0x97: {  	[spmem:s5@s1], [sflag:s22] =	dma.strided [hbm:s0@s30], $0x1E80, s28, $0x10   }
0x98: {  	s0 =	rddreg [dreg:$0x8]  }
0x99: {  	s2 =	simm.s32 @!p0 $0xE400;
	s16 =	sadd.s32 @!p0 s0, s26;
	s0 =	simm.s32 @!p0 $0x0  }
0x9a: {  	[tilespmem:s2], [sflag:$0x3] =	stream.linear.gather @!p0 [hbm4b:s16+s0], $0x240, $0x38;
	[tilespmem:$0x1DAA8] =	vst v63  }
0x9b: {  	s16 =	simm.s32 @!p0 $0x3  }
0x9c: {  	_ =	swait.ge @!p0 [sflag:s16], $0x240  }
0x9d: {  	[sflag:s16] =	ssyncset.done @!p0 $0x0  }
0x9e: {  	s0 =	rddreg [dreg:$0x16];
	[sflag:s16] =	ssyncadd.s32 @!p0 $0xFFFFFDC0  }
0x9f: {  	[spmem:s0] =	stream.linear.scatter @!p0 [tilespmem:s2], [sflag:$0x3], $0x240, $0x38;
	[tilespmem:$0x1DAA8] =	vst v63  }
0xa0: {  	_ =	swait.ge @!p0 [sflag:s16], $0x240  }
0xa1: {  	[sflag:s16] =	ssyncset.done @!p0 $0x0  }
0xa2: {  	[sflag:s16] =	ssyncadd.s32 @!p0 $0xFFFFFDC0  }
0xa3: {  	_ =	swait.ge [sflag:s28], $0x1E80  }
0xa4: {  	[sflag:s28] =	ssyncset.done $0x0  }
0xa5: {  	[sflag:s28] =	ssyncadd.s32 $0xFFFFE180  }
0xa6: {  	s3 =	simm.s32 $0x1000;
	[bflag:$0x0] =	sbarrier.arrive $0xFFFF  }
0xa7: {  	[tilespmem:s3], [sflag:$0x2] =	stream.indirect.gather [spmem:s6], $0x1, s23, s30, $0xb8;
	[tilespmem:$0x1DAA8] =	vst v63  }
0xa8: {  	s4 =	simm.s32 $0x1080  }
0xa9: {  	[tilespmem:s4], [sflag:$0x2] =	stream.indirect.gather [spmem:s6], $0x1, s30, s30, $0xb8;
	[tilespmem:$0x1DAA8] =	vst v63  }
0xaa: {  	s1 =	simm.s32 $0x100;
	s4 =	simm.s32 $0x1100  }
0xab: {  	[tilespmem:s4], [sflag:$0x2] =	stream.indirect.gather [spmem:s6], $0x1, s1, s30, $0xb8;
	[tilespmem:$0x1DAA8] =	vst v63  }
0xac: {  	s13 =	simm.s32 $0x180;
	s7 =	simm.s32 $0x1180  }
0xad: {  	[tilespmem:s7], [sflag:$0x2] =	stream.indirect.gather [spmem:s6], $0x1, s13, s30, $0xb8;
	[tilespmem:$0x1DAA8] =	vst v63  }
0xae: {  	s8 =	simm.s32 $0x1200;
	s3 =	simm.s32 $0x200  }
0xaf: {  	[tilespmem:s8], [sflag:$0x2] =	stream.indirect.gather [spmem:s6], $0x1, s3, s30, $0xb8;
	[tilespmem:$0x1DAA8] =	vst v63  }
0xb0: {  	s9 =	simm.s32 $0x1280  }
0xb1: {  	[tilespmem:s9], [sflag:$0x2] =	stream.indirect.gather [spmem:s6], $0x1, s21, s30, $0xb8;
	[tilespmem:$0x1DAA8] =	vst v63  }
0xb2: {  	s10 =	simm.s32 $0x1300;
	s8 =	simm.s32 $0x300  }
0xb3: {  	[tilespmem:s10], [sflag:$0x2] =	stream.indirect.gather [spmem:s6], $0x1, s8, s30, $0xb8;
	[tilespmem:$0x1DAA8] =	vst v63  }
0xb4: {  	s11 =	simm.s32 $0x1380;
	s9 =	simm.s32 $0x380  }
0xb5: {  	[tilespmem:s11], [sflag:$0x2] =	stream.indirect.gather [spmem:s6], $0x1, s9, s30, $0xb8;
	[tilespmem:$0x1DAA8] =	vst v63  }
0xb6: {  	s15 =	simm.s32 $0x1800;
	s4 =	simm.s32 $0x400  }
0xb7: {  	[tilespmem:s15], [sflag:$0x2] =	stream.indirect.gather [spmem:s6], $0x1, s4, s30, $0xb8;
	[tilespmem:$0x1DAA8] =	vst v63  }
0xb8: {  	s12 =	simm.s32 $0x1880;
	s10 =	simm.s32 $0x480  }
0xb9: {  	[tilespmem:s12], [sflag:$0x2] =	stream.indirect.gather [spmem:s6], $0x1, s10, s30, $0xb8;
	[tilespmem:$0x1DAA8] =	vst v63  }
0xba: {  	s17 =	simm.s32 $0x1900;
	s11 =	simm.s32 $0x500  }
0xbb: {  	[tilespmem:s17], [sflag:$0x2] =	stream.indirect.gather [spmem:s6], $0x1, s11, s30, $0xb8;
	[tilespmem:$0x1DAA8] =	vst v63  }
0xbc: {  	s18 =	simm.s32 $0x1980;
	s12 =	simm.s32 $0x580  }
0xbd: {  	[tilespmem:s18], [sflag:$0x2] =	stream.indirect.gather [spmem:s6], $0x1, s12, s30, $0xb8;
	[tilespmem:$0x1DAA8] =	vst v63  }
0xbe: {  	s20 =	simm.s32 $0x1A00;
	s17 =	simm.s32 $0x600  }
0xbf: {  	[tilespmem:s20], [sflag:$0x2] =	stream.indirect.gather [spmem:s6], $0x1, s17, s30, $0xb8;
	[tilespmem:$0x1DAA8] =	vst v63  }
0xc0: {  	s7 =	simm.s32 $0x1A80;
	s18 =	simm.s32 $0x680  }
0xc1: {  	[tilespmem:s7], [sflag:$0x2] =	stream.indirect.gather [spmem:s6], $0x1, s18, s30, $0xb8;
	[tilespmem:$0x1DAA8] =	vst v63  }
0xc2: {  	s20 =	simm.s32 $0x1B00;
	s7 =	simm.s32 $0x700  }
0xc3: {  	[tilespmem:s20], [sflag:$0x2] =	stream.indirect.gather [spmem:s6], $0x1, s7, s30, $0xb8;
	[tilespmem:$0x1DAA8] =	vst v63  }
0xc4: {  	s20 =	simm.s32 $0x1B80  }
0xc5: {  	[tilespmem:s20], [sflag:$0x2] =	stream.indirect.gather [spmem:s6], $0x1, s29, s30, $0xb8;
	[tilespmem:$0x1DAA8] =	vst v63  }
0xc6: {  	_ =	swait.ge [sflag:s31], $0x80  }
0xc7: {  	[sflag:s31] =	ssyncset.done $0x0  }
0xc8: {  	[sflag:s31] =	ssyncadd.s32 $0xFFFFFF80  }
0xc9: {  	_ =	swait.ge [sflag:s31], $0x80  }
0xca: {  	[sflag:s31] =	ssyncset.done $0x0  }
0xcb: {  	[sflag:s31] =	ssyncadd.s32 $0xFFFFFF80  }
0xcc: {  	_ =	swait.ge [sflag:s31], $0x80  }
0xcd: {  	[sflag:s31] =	ssyncset.done $0x0  }
0xce: {  	[sflag:s31] =	ssyncadd.s32 $0xFFFFFF80  }
0xcf: {  	_ =	swait.ge [sflag:s31], $0x80  }
0xd0: {  	[sflag:s31] =	ssyncset.done $0x0  }
0xd1: {  	[sflag:s31] =	ssyncadd.s32 $0xFFFFFF80  }
0xd2: {  	_ =	swait.ge [sflag:s31], $0x80  }
0xd3: {  	[sflag:s31] =	ssyncset.done $0x0  }
0xd4: {  	[sflag:s31] =	ssyncadd.s32 $0xFFFFFF80  }
0xd5: {  	_ =	swait.ge [sflag:s31], $0x80  }
0xd6: {  	[sflag:s31] =	ssyncset.done $0x0  }
0xd7: {  	[sflag:s31] =	ssyncadd.s32 $0xFFFFFF80  }
0xd8: {  	_ =	swait.ge [sflag:s31], $0x80  }
0xd9: {  	[sflag:s31] =	ssyncset.done $0x0  }
0xda: {  	[sflag:s31] =	ssyncadd.s32 $0xFFFFFF80  }
0xdb: {  	_ =	swait.ge [sflag:s31], $0x80  }
0xdc: {  	[sflag:s31] =	ssyncset.done $0x0  }
0xdd: {  	[sflag:s31] =	ssyncadd.s32 $0xFFFFFF80  }
0xde: {  	_ =	swait.ge [sflag:s31], $0x80  }
0xdf: {  	[sflag:s31] =	ssyncset.done $0x0  }
0xe0: {  	[sflag:s31] =	ssyncadd.s32 $0xFFFFFF80  }
0xe1: {  	_ =	swait.ge [sflag:s31], $0x80  }
0xe2: {  	[sflag:s31] =	ssyncset.done $0x0  }
0xe3: {  	[sflag:s31] =	ssyncadd.s32 $0xFFFFFF80  }
0xe4: {  	_ =	swait.ge [sflag:s31], $0x80  }
0xe5: {  	[sflag:s31] =	ssyncset.done $0x0  }
0xe6: {  	[sflag:s31] =	ssyncadd.s32 $0xFFFFFF80  }
0xe7: {  	_ =	swait.ge [sflag:s31], $0x80  }
0xe8: {  	[sflag:s31] =	ssyncset.done $0x0  }
0xe9: {  	[sflag:s31] =	ssyncadd.s32 $0xFFFFFF80  }
0xea: {  	_ =	swait.ge [sflag:s31], $0x80  }
0xeb: {  	[sflag:s31] =	ssyncset.done $0x0  }
0xec: {  	[sflag:s31] =	ssyncadd.s32 $0xFFFFFF80  }
0xed: {  	_ =	swait.ge [sflag:s31], $0x80  }
0xee: {  	[sflag:s31] =	ssyncset.done $0x0  }
0xef: {  	[sflag:s31] =	ssyncadd.s32 $0xFFFFFF80  }
0xf0: {  	_ =	swait.ge [sflag:s31], $0x80  }
0xf1: {  	[sflag:s31] =	ssyncset.done $0x0  }
0xf2: {  	[sflag:s31] =	ssyncadd.s32 $0xFFFFFF80  }
0xf3: {  	_ =	swait.ge [sflag:s31], $0x80  }
0xf4: {  	[sflag:s31] =	ssyncset.done $0x0  }
0xf5: {  	[sflag:s31] =	ssyncadd.s32 $0xFFFFFF80  }
0xf6: {  	[bflag:$0x0] =	sbarrier.arrive $0xFFFF  }
0xf7: {  	s20 =	rddreg [dreg:$0x3]  }
0xf8: {  	s15 =	sadd.s32 s20, s25;
	s20 =	simm.s32 $0x10  }
0xf9: {  	[spmem:s5@s20], [sflag:s22] =	dma.strided [hbm:s15@s30], $0x1E80, s28, $0x10   }
0xfa: {  	s15 =	rddreg [dreg:$0x9]  }
0xfb: {  	s20 =	simm.s32 @!p0 $0x0;
	s15 =	sadd.s32 @!p0 s15, s26  }
0xfc: {  	[tilespmem:s2], [sflag:$0x3] =	stream.linear.gather @!p0 [hbm4b:s15+s20], $0x240, $0x38;
	[tilespmem:$0x1DAA8] =	vst v63  }
0xfd: {  	_ =	swait.ge @!p0 [sflag:s16], $0x240  }
0xfe: {  	[sflag:s16] =	ssyncset.done @!p0 $0x0  }
0xff: {  	[sflag:s16] =	ssyncadd.s32 @!p0 $0xFFFFFDC0  }
0x100: {  	[spmem:s0] =	stream.linear.scatter @!p0 [tilespmem:s2], [sflag:$0x3], $0x240, $0x38;
	[tilespmem:$0x1DAA8] =	vst v63  }
0x101: {  	_ =	swait.ge @!p0 [sflag:s16], $0x240  }
0x102: {  	[sflag:s16] =	ssyncset.done @!p0 $0x0  }
0x103: {  	[sflag:s16] =	ssyncadd.s32 @!p0 $0xFFFFFDC0  }
0x104: {  	_ =	swait.ge [sflag:s28], $0x1E80  }
0x105: {  	[sflag:s28] =	ssyncset.done $0x0  }
0x106: {  	[sflag:s28] =	ssyncadd.s32 $0xFFFFE180  }
0x107: {  	s20 =	simm.s32 $0x1400;
	[bflag:$0x0] =	sbarrier.arrive $0xFFFF  }
0x108: {  	[tilespmem:s20], [sflag:$0x2] =	stream.indirect.gather [spmem:s6], $0x1, s23, s30, $0xb8;
	[tilespmem:$0x1DAA8] =	vst v63  }
0x109: {  	s20 =	simm.s32 $0x1480  }
0x10a: {  	[tilespmem:s20], [sflag:$0x2] =	stream.indirect.gather [spmem:s6], $0x1, s30, s30, $0xb8;
	[tilespmem:$0x1DAA8] =	vst v63  }
0x10b: {  	s20 =	simm.s32 $0x1500  }
0x10c: {  	[tilespmem:s20], [sflag:$0x2] =	stream.indirect.gather [spmem:s6], $0x1, s1, s30, $0xb8;
	[tilespmem:$0x1DAA8] =	vst v63  }
0x10d: {  	s20 =	simm.s32 $0x1580  }
0x10e: {  	[tilespmem:s20], [sflag:$0x2] =	stream.indirect.gather [spmem:s6], $0x1, s13, s30, $0xb8;
	[tilespmem:$0x1DAA8] =	vst v63  }
0x10f: {  	s13 =	simm.s32 $0x1600  }
0x110: {  	[tilespmem:s13], [sflag:$0x2] =	stream.indirect.gather [spmem:s6], $0x1, s3, s30, $0xb8;
	[tilespmem:$0x1DAA8] =	vst v63  }
0x111: {  	s15 =	simm.s32 $0x1680  }
0x112: {  	[tilespmem:s15], [sflag:$0x2] =	stream.indirect.gather [spmem:s6], $0x1, s21, s30, $0xb8;
	[tilespmem:$0x1DAA8] =	vst v63  }
0x113: {  	s20 =	simm.s32 $0x1700  }
0x114: {  	[tilespmem:s20], [sflag:$0x2] =	stream.indirect.gather [spmem:s6], $0x1, s8, s30, $0xb8;
	[tilespmem:$0x1DAA8] =	vst v63  }
0x115: {  	s3 =	simm.s32 $0x1780  }
0x116: {  	[tilespmem:s3], [sflag:$0x2] =	stream.indirect.gather [spmem:s6], $0x1, s9, s30, $0xb8;
	[tilespmem:$0x1DAA8] =	vst v63  }
0x117: {  	s8 =	simm.s32 $0x1C00  }
0x118: {  	[tilespmem:s8], [sflag:$0x2] =	stream.indirect.gather [spmem:s6], $0x1, s4, s30, $0xb8;
	[tilespmem:$0x1DAA8] =	vst v63  }
0x119: {  	s9 =	simm.s32 $0x1C80  }
0x11a: {  	[tilespmem:s9], [sflag:$0x2] =	stream.indirect.gather [spmem:s6], $0x1, s10, s30, $0xb8;
	[tilespmem:$0x1DAA8] =	vst v63  }
0x11b: {  	s10 =	simm.s32 $0x1D00  }
0x11c: {  	[tilespmem:s10], [sflag:$0x2] =	stream.indirect.gather [spmem:s6], $0x1, s11, s30, $0xb8;
	[tilespmem:$0x1DAA8] =	vst v63  }
0x11d: {  	s13 =	simm.s32 $0x1D80  }
0x11e: {  	[tilespmem:s13], [sflag:$0x2] =	stream.indirect.gather [spmem:s6], $0x1, s12, s30, $0xb8;
	[tilespmem:$0x1DAA8] =	vst v63  }
0x11f: {  	s15 =	simm.s32 $0x1E00  }
0x120: {  	[tilespmem:s15], [sflag:$0x2] =	stream.indirect.gather [spmem:s6], $0x1, s17, s30, $0xb8;
	[tilespmem:$0x1DAA8] =	vst v63  }
0x121: {  	s17 =	simm.s32 $0x1E80  }
0x122: {  	[tilespmem:s17], [sflag:$0x2] =	stream.indirect.gather [spmem:s6], $0x1, s18, s30, $0xb8;
	[tilespmem:$0x1DAA8] =	vst v63  }
0x123: {  	s18 =	simm.s32 $0x1F00  }
0x124: {  	[tilespmem:s18], [sflag:$0x2] =	stream.indirect.gather [spmem:s6], $0x1, s7, s30, $0xb8;
	[tilespmem:$0x1DAA8] =	vst v63  }
0x125: {  	s20 =	simm.s32 $0x1F80  }
0x126: {  	[tilespmem:s20], [sflag:$0x2] =	stream.indirect.gather [spmem:s6], $0x1, s29, s30, $0xb8;
	[tilespmem:$0x1DAA8] =	vst v63  }
0x127: {  	_ =	swait.ge [sflag:s31], $0x80  }
0x128: {  	[sflag:s31] =	ssyncset.done $0x0  }
0x129: {  	[sflag:s31] =	ssyncadd.s32 $0xFFFFFF80  }
0x12a: {  	_ =	swait.ge [sflag:s31], $0x80  }
0x12b: {  	[sflag:s31] =	ssyncset.done $0x0  }
0x12c: {  	[sflag:s31] =	ssyncadd.s32 $0xFFFFFF80  }
0x12d: {  	_ =	swait.ge [sflag:s31], $0x80  }
0x12e: {  	[sflag:s31] =	ssyncset.done $0x0  }
0x12f: {  	[sflag:s31] =	ssyncadd.s32 $0xFFFFFF80  }
0x130: {  	_ =	swait.ge [sflag:s31], $0x80  }
0x131: {  	[sflag:s31] =	ssyncset.done $0x0  }
0x132: {  	[sflag:s31] =	ssyncadd.s32 $0xFFFFFF80  }
0x133: {  	_ =	swait.ge [sflag:s31], $0x80  }
0x134: {  	[sflag:s31] =	ssyncset.done $0x0  }
0x135: {  	[sflag:s31] =	ssyncadd.s32 $0xFFFFFF80  }
0x136: {  	_ =	swait.ge [sflag:s31], $0x80  }
0x137: {  	[sflag:s31] =	ssyncset.done $0x0  }
0x138: {  	[sflag:s31] =	ssyncadd.s32 $0xFFFFFF80  }
0x139: {  	_ =	swait.ge [sflag:s31], $0x80  }
0x13a: {  	[sflag:s31] =	ssyncset.done $0x0  }
0x13b: {  	[sflag:s31] =	ssyncadd.s32 $0xFFFFFF80  }
0x13c: {  	_ =	swait.ge [sflag:s31], $0x80  }
0x13d: {  	[sflag:s31] =	ssyncset.done $0x0  }
0x13e: {  	[sflag:s31] =	ssyncadd.s32 $0xFFFFFF80  }
0x13f: {  	_ =	swait.ge [sflag:s31], $0x80  }
0x140: {  	[sflag:s31] =	ssyncset.done $0x0  }
0x141: {  	[sflag:s31] =	ssyncadd.s32 $0xFFFFFF80  }
0x142: {  	_ =	swait.ge [sflag:s31], $0x80  }
0x143: {  	[sflag:s31] =	ssyncset.done $0x0  }
0x144: {  	[sflag:s31] =	ssyncadd.s32 $0xFFFFFF80  }
0x145: {  	_ =	swait.ge [sflag:s31], $0x80  }
0x146: {  	[sflag:s31] =	ssyncset.done $0x0  }
0x147: {  	[sflag:s31] =	ssyncadd.s32 $0xFFFFFF80  }
0x148: {  	_ =	swait.ge [sflag:s31], $0x80  }
0x149: {  	[sflag:s31] =	ssyncset.done $0x0  }
0x14a: {  	[sflag:s31] =	ssyncadd.s32 $0xFFFFFF80  }
0x14b: {  	_ =	swait.ge [sflag:s31], $0x80  }
0x14c: {  	[sflag:s31] =	ssyncset.done $0x0  }
0x14d: {  	[sflag:s31] =	ssyncadd.s32 $0xFFFFFF80  }
0x14e: {  	_ =	swait.ge [sflag:s31], $0x80  }
0x14f: {  	[sflag:s31] =	ssyncset.done $0x0  }
0x150: {  	[sflag:s31] =	ssyncadd.s32 $0xFFFFFF80  }
0x151: {  	_ =	swait.ge [sflag:s31], $0x80  }
0x152: {  	[sflag:s31] =	ssyncset.done $0x0  }
0x153: {  	[sflag:s31] =	ssyncadd.s32 $0xFFFFFF80  }
0x154: {  	_ =	swait.ge [sflag:s31], $0x80  }
0x155: {  	[sflag:s31] =	ssyncset.done $0x0  }
0x156: {  	[sflag:s31] =	ssyncadd.s32 $0xFFFFFF80  }
0x157: {  	[bflag:$0x0] =	sbarrier.arrive $0xFFFF  }
0x158: {  	s4 =	rddreg [dreg:$0x4]  }
0x159: {  	s17 =	simm.s32 $0x10;
	s15 =	sadd.s32 s4, s25  }
0x15a: {  	[spmem:s5@s17], [sflag:s22] =	dma.strided [hbm:s15@s30], $0x1E80, s28, $0x10   }
0x15b: {  	s15 =	rddreg [dreg:$0xa]  }
0x15c: {  	s18 =	simm.s32 @!p0 $0x0;
	s15 =	sadd.s32 @!p0 s15, s26  }
0x15d: {  	[tilespmem:s2], [sflag:$0x3] =	stream.linear.gather @!p0 [hbm4b:s15+s18], $0x240, $0x38;
	[tilespmem:$0x1DAA8] =	vst v63  }
0x15e: {  	_ =	swait.ge @!p0 [sflag:s16], $0x240  }
0x15f: {  	[sflag:s16] =	ssyncset.done @!p0 $0x0  }
0x160: {  	[sflag:s16] =	ssyncadd.s32 @!p0 $0xFFFFFDC0  }
0x161: {  	[spmem:s0] =	stream.linear.scatter @!p0 [tilespmem:s2], [sflag:$0x3], $0x240, $0x38;
	[tilespmem:$0x1DAA8] =	vst v63  }
0x162: {  	_ =	swait.ge @!p0 [sflag:s16], $0x240  }
0x163: {  	[sflag:s16] =	ssyncset.done @!p0 $0x0  }
0x164: {  	[sflag:s16] =	ssyncadd.s32 @!p0 $0xFFFFFDC0  }
0x165: {  	_ =	swait.ge [sflag:s28], $0x1E80  }
0x166: {  	[sflag:s28] =	ssyncset.done $0x0  }
0x167: {  	[sflag:s28] =	ssyncadd.s32 $0xFFFFE180  }
0x168: {  	s13 =	simm.s32 $0x800;
	s7 =	simm.s32 $0x2000;
	[bflag:$0x0] =	sbarrier.arrive $0xFFFF  }
0x169: {  	[tilespmem:s7], [sflag:$0x2] =	stream.indirect.gather [spmem:s6], $0x1, s13, s30, $0xb8;
	[tilespmem:$0x1DAA8] =	vst v63  }
0x16a: {  	s3 =	simm.s32 $0x880;
	s8 =	simm.s32 $0x2080  }
0x16b: {  	[tilespmem:s8], [sflag:$0x2] =	stream.indirect.gather [spmem:s6], $0x1, s3, s30, $0xb8;
	[tilespmem:$0x1DAA8] =	vst v63  }
0x16c: {  	s9 =	simm.s32 $0x2100;
	s7 =	simm.s32 $0x900  }
0x16d: {  	[tilespmem:s9], [sflag:$0x2] =	stream.indirect.gather [spmem:s6], $0x1, s7, s30, $0xb8;
	[tilespmem:$0x1DAA8] =	vst v63  }
0x16e: {  	s10 =	simm.s32 $0x2180;
	s8 =	simm.s32 $0x980  }
0x16f: {  	[tilespmem:s10], [sflag:$0x2] =	stream.indirect.gather [spmem:s6], $0x1, s8, s30, $0xb8;
	[tilespmem:$0x1DAA8] =	vst v63  }
0x170: {  	s11 =	simm.s32 $0x2200;
	s9 =	simm.s32 $0xA00  }
0x171: {  	[tilespmem:s11], [sflag:$0x2] =	stream.indirect.gather [spmem:s6], $0x1, s9, s30, $0xb8;
	[tilespmem:$0x1DAA8] =	vst v63  }
0x172: {  	s12 =	simm.s32 $0x2280;
	s10 =	simm.s32 $0xA80  }
0x173: {  	[tilespmem:s12], [sflag:$0x2] =	stream.indirect.gather [spmem:s6], $0x1, s10, s30, $0xb8;
	[tilespmem:$0x1DAA8] =	vst v63  }
0x174: {  	s15 =	simm.s32 $0x2300;
	s11 =	simm.s32 $0xB00  }
0x175: {  	[tilespmem:s15], [sflag:$0x2] =	stream.indirect.gather [spmem:s6], $0x1, s11, s30, $0xb8;
	[tilespmem:$0x1DAA8] =	vst v63  }
0x176: {  	s20 =	simm.s32 $0x2380;
	s12 =	simm.s32 $0xB80  }
0x177: {  	[tilespmem:s20], [sflag:$0x2] =	stream.indirect.gather [spmem:s6], $0x1, s12, s30, $0xb8;
	[tilespmem:$0x1DAA8] =	vst v63  }
0x178: {  	_ =	swait.ge [sflag:s31], $0x80  }
0x179: {  	[sflag:s31] =	ssyncset.done $0x0  }
0x17a: {  	[sflag:s31] =	ssyncadd.s32 $0xFFFFFF80  }
0x17b: {  	_ =	swait.ge [sflag:s31], $0x80  }
0x17c: {  	[sflag:s31] =	ssyncset.done $0x0  }
0x17d: {  	[sflag:s31] =	ssyncadd.s32 $0xFFFFFF80  }
0x17e: {  	_ =	swait.ge [sflag:s31], $0x80  }
0x17f: {  	[sflag:s31] =	ssyncset.done $0x0  }
0x180: {  	[sflag:s31] =	ssyncadd.s32 $0xFFFFFF80  }
0x181: {  	_ =	swait.ge [sflag:s31], $0x80  }
0x182: {  	[sflag:s31] =	ssyncset.done $0x0  }
0x183: {  	[sflag:s31] =	ssyncadd.s32 $0xFFFFFF80  }
0x184: {  	_ =	swait.ge [sflag:s31], $0x80  }
0x185: {  	[sflag:s31] =	ssyncset.done $0x0  }
0x186: {  	[sflag:s31] =	ssyncadd.s32 $0xFFFFFF80  }
0x187: {  	_ =	swait.ge [sflag:s31], $0x80  }
0x188: {  	[sflag:s31] =	ssyncset.done $0x0  }
0x189: {  	[sflag:s31] =	ssyncadd.s32 $0xFFFFFF80  }
0x18a: {  	_ =	swait.ge [sflag:s31], $0x80  }
0x18b: {  	[sflag:s31] =	ssyncset.done $0x0  }
0x18c: {  	[sflag:s31] =	ssyncadd.s32 $0xFFFFFF80  }
0x18d: {  	_ =	swait.ge [sflag:s31], $0x80  }
0x18e: {  	[sflag:s31] =	ssyncset.done $0x0  }
0x18f: {  	[sflag:s31] =	ssyncadd.s32 $0xFFFFFF80  }
0x190: {  	[bflag:$0x0] =	sbarrier.arrive $0xFFFF  }
0x191: {  	s4 =	rddreg [dreg:$0x5]  }
0x192: {  	s15 =	sadd.s32 s4, s25  }
0x193: {  	[spmem:s5@s17], [sflag:s22] =	dma.strided [hbm:s15@s30], $0x1E80, s28, $0x10   }
0x194: {  	s5 =	rddreg [dreg:$0xb]  }
0x195: {  	s5 =	sadd.s32 @!p0 s5, s26  }
0x196: {  	[tilespmem:s2], [sflag:$0x3] =	stream.linear.gather @!p0 [hbm4b:s5+s18], $0x240, $0x38;
	[tilespmem:$0x1DAA8] =	vst v63  }
0x197: {  	_ =	swait.ge @!p0 [sflag:s16], $0x240  }
0x198: {  	[sflag:s16] =	ssyncset.done @!p0 $0x0  }
0x199: {  	[sflag:s16] =	ssyncadd.s32 @!p0 $0xFFFFFDC0  }
0x19a: {  	[spmem:s0] =	stream.linear.scatter @!p0 [tilespmem:s2], [sflag:$0x3], $0x240, $0x38;
	[tilespmem:$0x1DAA8] =	vst v63  }
0x19b: {  	_ =	swait.ge @!p0 [sflag:s16], $0x240  }
0x19c: {  	[sflag:s16] =	ssyncset.done @!p0 $0x0  }
0x19d: {  	[sflag:s16] =	ssyncadd.s32 @!p0 $0xFFFFFDC0  }
0x19e: {  	_ =	swait.ge [sflag:s28], $0x1E80  }
0x19f: {  	[sflag:s28] =	ssyncset.done $0x0  }
0x1a0: {  	[sflag:s28] =	ssyncadd.s32 $0xFFFFE180  }
0x1a1: {  	s15 =	simm.s32 $0x2400;
	[bflag:$0x0] =	sbarrier.arrive $0xFFFF  }
0x1a2: {  	[tilespmem:s15], [sflag:$0x2] =	stream.indirect.gather [spmem:s6], $0x1, s13, s30, $0xb8;
	[tilespmem:$0x1DAA8] =	vst v63  }
0x1a3: {  	s16 =	simm.s32 $0x2480  }
0x1a4: {  	[tilespmem:s16], [sflag:$0x2] =	stream.indirect.gather [spmem:s6], $0x1, s3, s30, $0xb8;
	[tilespmem:$0x1DAA8] =	vst v63  }
0x1a5: {  	s17 =	simm.s32 $0x2500  }
0x1a6: {  	[tilespmem:s17], [sflag:$0x2] =	stream.indirect.gather [spmem:s6], $0x1, s7, s30, $0xb8;
	[tilespmem:$0x1DAA8] =	vst v63  }
0x1a7: {  	s18 =	simm.s32 $0x2580  }
0x1a8: {  	[tilespmem:s18], [sflag:$0x2] =	stream.indirect.gather [spmem:s6], $0x1, s8, s30, $0xb8;
	[tilespmem:$0x1DAA8] =	vst v63  }
0x1a9: {  	s20 =	simm.s32 $0x2600  }
0x1aa: {  	[tilespmem:s20], [sflag:$0x2] =	stream.indirect.gather [spmem:s6], $0x1, s9, s30, $0xb8;
	[tilespmem:$0x1DAA8] =	vst v63  }
0x1ab: {  	s22 =	simm.s32 $0x2680  }
0x1ac: {  	[tilespmem:s22], [sflag:$0x2] =	stream.indirect.gather [spmem:s6], $0x1, s10, s30, $0xb8;
	[tilespmem:$0x1DAA8] =	vst v63  }
0x1ad: {  	s25 =	simm.s32 $0x2700  }
0x1ae: {  	[tilespmem:s25], [sflag:$0x2] =	stream.indirect.gather [spmem:s6], $0x1, s11, s30, $0xb8;
	[tilespmem:$0x1DAA8] =	vst v63  }
0x1af: {  	s26 =	simm.s32 $0x2780  }
0x1b0: {  	[tilespmem:s26], [sflag:$0x2] =	stream.indirect.gather [spmem:s6], $0x1, s12, s30, $0xb8;
	[tilespmem:$0x1DAA8] =	vst v63  }
0x1b1: {  	_ =	swait.ge [sflag:s31], $0x80  }
0x1b2: {  	[sflag:s31] =	ssyncset.done $0x0  }
0x1b3: {  	[sflag:s31] =	ssyncadd.s32 $0xFFFFFF80  }
0x1b4: {  	_ =	swait.ge [sflag:s31], $0x80  }
0x1b5: {  	[sflag:s31] =	ssyncset.done $0x0  }
0x1b6: {  	[sflag:s31] =	ssyncadd.s32 $0xFFFFFF80  }
0x1b7: {  	_ =	swait.ge [sflag:s31], $0x80  }
0x1b8: {  	[sflag:s31] =	ssyncset.done $0x0  }
0x1b9: {  	[sflag:s31] =	ssyncadd.s32 $0xFFFFFF80  }
0x1ba: {  	_ =	swait.ge [sflag:s31], $0x80  }
0x1bb: {  	[sflag:s31] =	ssyncset.done $0x0  }
0x1bc: {  	[sflag:s31] =	ssyncadd.s32 $0xFFFFFF80  }
0x1bd: {  	_ =	swait.ge [sflag:s31], $0x80  }
0x1be: {  	[sflag:s31] =	ssyncset.done $0x0  }
0x1bf: {  	[sflag:s31] =	ssyncadd.s32 $0xFFFFFF80  }
0x1c0: {  	_ =	swait.ge [sflag:s31], $0x80  }
0x1c1: {  	[sflag:s31] =	ssyncset.done $0x0  }
0x1c2: {  	[sflag:s31] =	ssyncadd.s32 $0xFFFFFF80  }
0x1c3: {  	_ =	swait.ge [sflag:s31], $0x80  }
0x1c4: {  	[sflag:s31] =	ssyncset.done $0x0  }
0x1c5: {  	[sflag:s31] =	ssyncadd.s32 $0xFFFFFF80  }
0x1c6: {  	_ =	swait.ge [sflag:s31], $0x80  }
0x1c7: {  	[sflag:s31] =	ssyncset.done $0x0  }
0x1c8: {  	[sflag:s31] =	ssyncadd.s32 $0xFFFFFF80  }
0x1c9: {  	s0 =	simm.s32 $0x0;
	[bflag:$0x0] =	sbarrier.arrive $0xFFFF  }
0x1ca: {  	v3 =	vld [tilespmem:s0+$0xC00];
	_ =	sdelay $0x1  }
0x1cb: {  	v2 =	vmov s24  }
0x1cc: {  	v2 =	vand.u32 $0x7F, v2  }
0x1cd: {  	v2 =	vbroadcast v2, $0x0  }
0x1ce: {  	v3 =	vshll.u32 v3, $0x7  }
0x1cf: {  	v3 =	vor.u32 v2, v3;
	_ =	sdelay $0x4  }
0x1d0: {  	v3 =	vld.idx.msk [tilespmem:v3+s19+$0x0], $0xffff;
	_ =	sdelay $0x4  }
0x1d1: {  	v4 =	vmul.f32 v3, v3;
	_ =	sdelay $0x1  }
0x1d2: {  	v5 =	vmul.f32 $2.480158760e-05, v4;
	_ =	sdelay $0x1  }
0x1d3: {  	v6 =	vmul.f32 $-1.984127010e-04, v4;
	v5 =	vadd.f32 $-1.388888920e-03, v5;
	_ =	sdelay $0x1  }
0x1d4: {  	v6 =	vadd.f32 $8.333333770e-03, v6;
	v5 =	vmul.f32 v5, v4;
	_ =	sdelay $0x1  }
0x1d5: {  	v7 =	vld [tilespmem:s0+$0x1000];
	v6 =	vmul.f32 v6, v4;
	v5 =	vadd.f32 $4.166666790e-02, v5  }
0x1d6: {  	v9 =	vld [tilespmem:s0+$0x1400]  }
0x1d7: {  	v8 =	vld [tilespmem:s0+$0x1800];
	v6 =	vadd.f32 $-1.666666720e-01, v6;
	v5 =	vmul.f32 v5, v4  }
0x1d8: {  	v11 =	vld [tilespmem:s0+$0x1C00]  }
0x1d9: {  	v6 =	vmul.f32 v6, v4;
	v5 =	vadd.f32 $-5.000000000e-01, v5;
	_ =	sdelay $0x1  }
0x1da: {  	v6 =	vadd.f32 $1.000000000e+00, v6;
	v5 =	vmul.f32 v5, v4  }
0x1db: {  	v10 =	vsub.f32 v7, v8  }
0x1dc: {  	v4 =	vmul.f32 v6, v3;
	v6 =	vsub.f32 v9, v11;
	v5 =	vadd.f32 $1.000000000e+00, v5  }
0x1dd: {  	s1 =	simm.s32 $0x400;
	v7 =	vadd.f32 v8, v7;
	v3 =	vld [tilespmem:s0+$0x2000]  }
0x1de: {  	s4 =	simm.s32 $0x800;
	s5 =	simm.s32 $0x80;
	s2 =	simm.s32 $0x10;
	v9 =	vadd.f32 v11, v9;
	v8 =	vmul.f32 v5, v10;
	v10 =	vmul.f32 v4, v6;
	v6 =	vld [tilespmem:s0+$0x2400]  }
.LBB2_7:
0x1df: {  	p1 =	sne.s32 s5, $0xFC0;
	v11 =	vld [tilespmem:s2+$0xC00]  }
0x1e0: {  	v4 =	vmul.f32 v4, v7;
	v8 =	vsub.f32 v8, v10;
	v5 =	vmul.f32 v5, v9;
	v7 =	vld [tilespmem:s0+$0xE000];
	_ =	sdelay $0x1  }
0x1e1: {  	v3 =	vadd.f32 v8, v3;
	v4 =	vadd.f32 v5, v4;
	_ =	sdelay $0x1  }
0x1e2: {  	v5 =	vshll.u32 v11, $0x7;
	v4 =	vadd.f32 v4, v6;
	v3 =	vand.u32 $0x7FFFFFFF, v3  }
0x1e3: {  	v5 =	vor.u32 v2, v5;
	v3 =	vadd.f32 v3, v7  }
0x1e4: {  	v4 =	vand.u32 $0x7FFFFFFF, v4  }
0x1e5: {  	v3 =	vadd.f32 v3, v4;
	_ =	sdelay $0x1  }
0x1e6: {  	[tilespmem:s0+$0xE000] =	vst v3;
	s0 =	smov.u32 s2  }
0x1e7: {  	v3 =	vld.idx.msk [tilespmem:v5+s19+$0x0], $0xffff;
	_ =	sdelay $0x5  }
0x1e8: {  	v4 =	vmul.f32 v3, v3;
	_ =	sdelay $0x1  }
0x1e9: {  	v5 =	vmul.f32 $2.480158760e-05, v4;
	_ =	sdelay $0x1  }
0x1ea: {  	v6 =	vmul.f32 $-1.984127010e-04, v4;
	v5 =	vadd.f32 $-1.388888920e-03, v5;
	_ =	sdelay $0x1  }
0x1eb: {  	v6 =	vadd.f32 $8.333333770e-03, v6;
	v5 =	vmul.f32 v5, v4;
	_ =	sdelay $0x1  }
0x1ec: {  	v6 =	vmul.f32 v6, v4;
	v5 =	vadd.f32 $4.166666790e-02, v5;
	v7 =	vld [tilespmem:s0+$0x1000]  }
0x1ed: {  	v9 =	vld [tilespmem:s0+$0x1400]  }
0x1ee: {  	v6 =	vadd.f32 $-1.666666720e-01, v6;
	v5 =	vmul.f32 v5, v4;
	v8 =	vld [tilespmem:s0+$0x1800]  }
0x1ef: {  	v11 =	vld [tilespmem:s0+$0x1C00]  }
0x1f0: {  	v6 =	vmul.f32 v6, v4;
	v5 =	vadd.f32 $-5.000000000e-01, v5;
	_ =	sdelay $0x1  }
.Ltmp2:
0x1f1: {  	v6 =	vadd.f32 $1.000000000e+00, v6;
	v5 =	vmul.f32 v5, v4;
	(pc) =	sbr.rel @p1 .LBB2_7-.Ltmp2, $4  }
0x1f2: {  	v10 =	vsub.f32 v7, v8  }
0x1f3: {  	v4 =	vmul.f32 v6, v3;
	v5 =	vadd.f32 $1.000000000e+00, v5;
	v6 =	vsub.f32 v9, v11  }
0x1f4: {  	v7 =	vadd.f32 v8, v7;
	v3 =	vld [tilespmem:s0+$0x2000]  }
0x1f5: {  	s2 =	sshra.s32 s5, $0x2;
	s5 =	sadd.s32 $0x40, s5;
	v9 =	vadd.f32 v11, v9;
	v8 =	vmul.f32 v5, v10;
	v10 =	vmul.f32 v4, v6;
	v6 =	vld [tilespmem:s0+$0x2400]  }
0x1f6: {  	v11 =	vld [tilespmem:s2+$0xC00]  }
0x1f7: {  	v4 =	vmul.f32 v4, v7;
	v51 =	vld [tilespmem:s0+$0xE000];
	v8 =	vsub.f32 v8, v10;
	v5 =	vmul.f32 v5, v9;
	_ =	sdelay $0x1  }
0x1f8: {  	v3 =	vadd.f32 v8, v3;
	v4 =	vadd.f32 v5, v4;
	_ =	sdelay $0x1  }
0x1f9: {  	v52 =	vshll.u32 v11, $0x7;
	v4 =	vadd.f32 v4, v6;
	v3 =	vand.u32 $0x7FFFFFFF, v3  }
0x1fa: {  	v2 =	vor.u32 v2, v52;
	v3 =	vadd.f32 v3, v51  }
0x1fb: {  	v4 =	vand.u32 $0x7FFFFFFF, v4  }
0x1fc: {  	v3 =	vadd.f32 v3, v4;
	_ =	sdelay $0x1  }
0x1fd: {  	[tilespmem:s0+$0xE000] =	vst v3  }
0x1fe: {  	v2 =	vld.idx.msk [tilespmem:v2+s19+$0x0], $0xffff;
	_ =	sdelay $0x4  }
0x1ff: {  	v3 =	vmul.f32 v2, v2;
	_ =	sdelay $0x1  }
0x200: {  	v53 =	vmul.f32 $2.480158760e-05, v3;
	_ =	sdelay $0x1  }
0x201: {  	v54 =	vmul.f32 $-1.984127010e-04, v3;
	v4 =	vadd.f32 $-1.388888920e-03, v53;
	_ =	sdelay $0x1  }
0x202: {  	v5 =	vadd.f32 $8.333333770e-03, v54;
	v4 =	vmul.f32 v4, v3;
	_ =	sdelay $0x1  }
0x203: {  	v55 =	vld [tilespmem:s2+$0x1000];
	v5 =	vmul.f32 v5, v3;
	v4 =	vadd.f32 $4.166666790e-02, v4  }
0x204: {  	v56 =	vld [tilespmem:s2+$0x1400]  }
0x205: {  	v57 =	vld [tilespmem:s2+$0x1800];
	v5 =	vadd.f32 $-1.666666720e-01, v5;
	v4 =	vmul.f32 v4, v3  }
0x206: {  	v58 =	vld [tilespmem:s2+$0x1C00]  }
0x207: {  	v5 =	vmul.f32 v5, v3;
	v4 =	vadd.f32 $-5.000000000e-01, v4;
	_ =	sdelay $0x1  }
0x208: {  	v5 =	vadd.f32 $1.000000000e+00, v5;
	v3 =	vmul.f32 v4, v3  }
0x209: {  	v59 =	vsub.f32 v55, v57  }
0x20a: {  	v60 =	vsub.f32 v56, v58;
	v2 =	vmul.f32 v5, v2;
	v3 =	vadd.f32 $1.000000000e+00, v3  }
0x20b: {  	v61 =	vld [tilespmem:s2+$0x2000];
	v6 =	vadd.f32 v57, v55  }
0x20c: {  	v7 =	vadd.f32 v58, v56;
	v5 =	vmul.f32 v2, v60;
	v4 =	vmul.f32 v3, v59  }
0x20d: {  	v62 =	vld [tilespmem:s2+$0x2400]  }
0x20e: {  	v63 =	vld [tilespmem:s2+$0xE000];
	v2 =	vmul.f32 v2, v6;
	v3 =	vmul.f32 v3, v7;
	v4 =	vsub.f32 v4, v5;
	_ =	sdelay $0x1  }
0x20f: {  	v2 =	vadd.f32 v3, v2;
	v4 =	vadd.f32 v4, v61  }
0x210: {  	s14 =	sadd.s32 $0x1, s14  }
0x211: {  	p1 =	sne.s32 s14, $0x20;
	v2 =	vadd.f32 v2, v62;
	v3 =	vand.u32 $0x7FFFFFFF, v4  }
.Ltmp3:
0x212: {  	v3 =	vadd.f32 v3, v63;
	(pc) =	sbr.rel @p1 .LBB2_6-.Ltmp3, $3  }
0x213: {  	v2 =	vand.u32 $0x7FFFFFFF, v2  }
0x214: {  	v2 =	vadd.f32 v3, v2;
	_ =	sdelay $0x1  }
0x215: {  	[tilespmem:s2+$0xE000] =	vst v2  }
0x216: {  	s0 =	rddreg [dreg:$0x14];
	s2 =	simm.s32 $0x100;
	s3 =	simm.s32 $0xE000  }
0x217: {  	[hbm4b:s0+s30] =	stream.strided.scatter [tilespmem:s3], [sflag:$0x3], $0x400, s2, s30, $0x38;
	[tilespmem:$0x1DAA8] =	vst v63  }
0x218: {  	s3 =	simm.s32 $0x3  }
0x219: {  	_ =	swait.ge [sflag:s3], $0x400  }
0x21a: {  	s25 =	rddreg [dreg:$0x17]  }
0x21b: {  	s26 =	rddreg [dreg:$0x15];
	s2 =	sadd.s32 $0x1, s25  }
0x21c: {  	p1 =	sne.s32 s2, s26  }
.Ltmp4:
0x21d: {  	_ = 	snop;
	(pc) =	sbr.rel @p1 .LBB2_1-.Ltmp4, $3  }
0x21e: {  	_ =	sdelay $0x1  }
0x21f: {  	[sflag:s3] =	ssyncset.done $0x0  }
0x220: {  	s7 =	simm.s32 $0x0;
	s14 =	rddreg [dreg:$0xc];
	[sflag:s3] =	ssyncadd.s32 $0xFFFFFC00  }
0x221: {  	_ =	sfence.sel $0x180000  }
0x222: {  	[bflag:$0x0] =	sbarrier.arrive $0xFFFF  }
0x223: {  	_ =	strace $0x90000047  }
0x224: {  	s0 =	stileid.u32;
	[bflag:$0x2] =	sbarrier.arrive $0xFFFF  }
0x225: {  	p0 =	sne.s32 s0, $0x0;
	s0 =	rddreg [dreg:$0x7]  }
0x226: {  	s0 =	sadd.s32 @!p0 $0x100000, s0  }
0x227: {  	[sflag:s0] =	ssyncadd.tile.s32 @!p0 $0x1;
	_ =	shalt  }
.Lfunc_end2:
_tile_overlayer_lowered:
.L_overlay_start_2:
0x228: {  	(tag) =	ssettag $0x2  }
0x229: {  	s0 =	rddreg [dreg:$0x0];
	s2 =	stileid.u32  }
0x22a: {  	s1 =	rddreg [dreg:$0x1];
	p0 =	sne.s32 s2, $0x0  }
0x22b: {  	s3 =	rddreg [dreg:$0x2];
	[bflag:$0x3] =	sbarrier.arrive $0xFFFF;
	s2 =	simm.s32 @!p0 $0x1C03  }
0x22c: {  	[timem:s3], [sflag:s2] =	dma.local @!p0 [hbm:s0], s1  }
0x22d: {  	s0 =	simm.s32 @!p0 $0x3  }
0x22e: {  	_ =	swait.ge @!p0 [sflag:s0], s1  }
0x22f: {  	s1 =	ssub.s32 @!p0 $0x0, s1;
	[sflag:s0] =	ssyncset.done @!p0 $0x0  }
0x230: {  	[sflag:s0] =	ssyncadd.s32 @!p0 s1  }
0x231: {  	[bflag:$0x3] =	sbarrier.arrive $0xFFFF  }
0x232: {  	_ =	shalt  }

</sc_bundles>
